<compile_context>
chip_gen: v7x
topology: tpu7x:2x2x1
jax: 0.10.2.dev20260603
libtpu: 0.0.44.dev20260713+nightly
codegen_flags: <defaults>
</compile_context>

<pallas_src>
import functools

import jax
import jax.numpy as jnp
from jax import lax
from jax.experimental import pallas as pl
from jax.experimental.pallas import tpu as pltpu
from jax.experimental.pallas import tpu_sc as plsc

_N = 10000
_E = 160000
_NC = 2
_NS = 16
_CH = 128
_CHUNK = 128
_NCHUNK = 1280
_CPT = _NCHUNK // _NS
_HALF = _CPT // 2
_NP = 10240
_RPT = _NP // _NS
_NB = 1000


def _sc_mesh():
    return plsc.VectorSubcoreMesh(core_axis_name="c", subcore_axis_name="s")


_NW = _NC * _NS
_CPW = _NCHUNK // _NW


def _sc_degree(dst2d, ones_hbm, zeros_hbm):

    @functools.partial(
        pl.kernel,
        out_type=jax.ShapeDtypeStruct((_NC, _NP, _CH), jnp.float32),
        mesh=_sc_mesh(),
        scratch_types=[
            pltpu.VMEM((_CPW, _CHUNK), jnp.int32),
            pltpu.VMEM((_CHUNK, _CH), jnp.float32),
            pltpu.VMEM_SHARED((_NP, _CH), jnp.float32),
        ],
    )
    def body(dst_hbm, ones_hbm_ref, zeros_hbm_ref, out_hbm, dstm, onesv, acc):
        cid = lax.axis_index("c")
        sid = lax.axis_index("s")
        wid = cid * _NS + sid

        pltpu.sync_copy(ones_hbm_ref, onesv)
        pltpu.sync_copy(zeros_hbm_ref.at[pl.ds(sid * _RPT, _RPT), :],
                        acc.at[pl.ds(sid * _RPT, _RPT), :])
        pltpu.sync_copy(dst_hbm.at[pl.ds(wid * _CPW, _CPW), :], dstm)
        plsc.subcore_barrier()

        def step(k, c):
            pltpu.sync_copy(onesv, acc.at[dstm.at[k]], add=True)
            return c

        lax.fori_loop(0, _CPW, step, 0)

        plsc.subcore_barrier()
        pltpu.sync_copy(acc.at[pl.ds(sid * _RPT, _RPT), :],
                        out_hbm.at[cid, pl.ds(sid * _RPT, _RPT), :])

    return body(dst2d, ones_hbm, zeros_hbm)


def _sc_aggregate(u_flat, src2d, dst2d):

    @functools.partial(
        pl.kernel,
        out_type=jax.ShapeDtypeStruct((_NC, _NP, _CH), jnp.float32),
        mesh=_sc_mesh(),
        scratch_types=[
            pltpu.VMEM((_HALF, _CHUNK), jnp.int32),
            pltpu.VMEM((_HALF, _CHUNK), jnp.int32),
            pltpu.VMEM((_CHUNK, _CH), jnp.float32),
            pltpu.VMEM((_CHUNK, _CH), jnp.float32),
            pltpu.VMEM_SHARED((_NP, _CH), jnp.float32),
            pltpu.SemaphoreType.DMA,
            pltpu.SemaphoreType.DMA,
        ],
    )
    def body(u_hbm, src_hbm, dst_hbm, out_hbm, srcm, dstm, rows0, rows1,
             acc, sem0, sem1):
        cid = lax.axis_index("c")
        sid = lax.axis_index("s")
        pltpu.sync_copy(u_hbm.at[pl.ds(cid * _NP + sid * _RPT, _RPT), :],
                        acc.at[pl.ds(sid * _RPT, _RPT), :])
        plsc.subcore_barrier()

        def gather(k, buf, sem):
            pltpu.async_copy(u_hbm.at[srcm.at[k]], buf, sem)

        def gwait(buf, sem):
            pltpu.make_async_copy(u_hbm.at[srcm.at[0]], buf, sem).wait()

        def scatter(k, buf):
            pltpu.sync_copy(buf, acc.at[dstm.at[k]], add=True)

        def step(j, c):
            a = 2 * j
            gather(a + 1, rows1, sem1)
            gwait(rows0, sem0)
            scatter(a, rows0)
            gather(jnp.minimum(a + 2, _HALF - 1), rows0, sem0)
            gwait(rows1, sem1)
            scatter(a + 1, rows1)
            return c

        for h in range(_CPT // _HALF):
            cbase = sid * _CPT + h * _HALF
            pltpu.sync_copy(src_hbm.at[pl.ds(cid * _NCHUNK + cbase, _HALF), :],
                            srcm)
            pltpu.sync_copy(dst_hbm.at[pl.ds(cbase, _HALF), :], dstm)
            gather(0, rows0, sem0)
            lax.fori_loop(0, _HALF // 2, step, 0)
            gwait(rows0, sem0)

        plsc.subcore_barrier()
        pltpu.sync_copy(acc.at[pl.ds(sid * _RPT, _RPT), :],
                        out_hbm.at[cid, pl.ds(sid * _RPT, _RPT), :])

    return body(u_flat, src2d, dst2d)


def _dinv_of(deg_blk):
    return jax.lax.rsqrt(deg_blk[0, :, 0:1] + deg_blk[1, :, 0:1] + 1.0)


def _mm_scale_kernel(x_ref, w_ref, deg_ref, o_ref):
    t = jnp.dot(x_ref[...], w_ref[...], preferred_element_type=jnp.float32)
    u = t * _dinv_of(deg_ref)
    o_ref[0] = u[:, :_CH]
    o_ref[1] = u[:, _CH:]


def _mm_scale(x, w, deg16):
    return pl.pallas_call(
        _mm_scale_kernel,
        grid=(_N // _NB,),
        in_specs=[
            pl.BlockSpec((_NB, 256), lambda i: (i, 0)),
            pl.BlockSpec((256, 256), lambda i: (0, 0)),
            pl.BlockSpec((_NC, _NB, _CH), lambda i: (0, i, 0)),
        ],
        out_specs=pl.BlockSpec((_NC, _NB, _CH), lambda i: (0, i, 0)),
        out_shape=jax.ShapeDtypeStruct((_NC, _NP, _CH), jnp.float32),
    )(x, w, deg16)


def _mid_kernel(agg_ref, deg_ref, b1_ref, w_ref, o_ref):
    dinv = _dinv_of(deg_ref)
    h = jnp.concatenate([agg_ref[0], agg_ref[1]], axis=1)
    h = jnp.maximum(h * dinv + b1_ref[...], 0.0)
    t = jnp.dot(h, w_ref[...], preferred_element_type=jnp.float32)
    u = t * dinv
    o_ref[0] = u[:, :_CH]
    o_ref[1] = u[:, _CH:]


def _mid(agg1, deg16, b1, w2):
    return pl.pallas_call(
        _mid_kernel,
        grid=(_N // _NB,),
        in_specs=[
            pl.BlockSpec((_NC, _NB, _CH), lambda i: (0, i, 0)),
            pl.BlockSpec((_NC, _NB, _CH), lambda i: (0, i, 0)),
            pl.BlockSpec((1, 256), lambda i: (0, 0)),
            pl.BlockSpec((256, 256), lambda i: (0, 0)),
        ],
        out_specs=pl.BlockSpec((_NC, _NB, _CH), lambda i: (0, i, 0)),
        out_shape=jax.ShapeDtypeStruct((_NC, _NP, _CH), jnp.float32),
    )(agg1, deg16, b1, w2)


def _final_kernel(agg_ref, deg_ref, bmu_ref, bsig_ref, mu_ref, sig_ref):
    dinv = _dinv_of(deg_ref)
    mu_ref[...] = agg_ref[0] * dinv + bmu_ref[...]
    sig_ref[...] = agg_ref[1] * dinv + bsig_ref[...]


def _final(agg2, deg16, b_mu, b_sig):
    return pl.pallas_call(
        _final_kernel,
        grid=(_N // _NB,),
        in_specs=[
            pl.BlockSpec((_NC, _NB, _CH), lambda i: (0, i, 0)),
            pl.BlockSpec((_NC, _NB, _CH), lambda i: (0, i, 0)),
            pl.BlockSpec((1, _CH), lambda i: (0, 0)),
            pl.BlockSpec((1, _CH), lambda i: (0, 0)),
        ],
        out_specs=[
            pl.BlockSpec((_NB, _CH), lambda i: (i, 0)),
            pl.BlockSpec((_NB, _CH), lambda i: (i, 0)),
        ],
        out_shape=[
            jax.ShapeDtypeStruct((_N, _CH), jnp.float32),
            jax.ShapeDtypeStruct((_N, _CH), jnp.float32),
        ],
    )(agg2, deg16, b_mu, b_sig)


def kernel(x, edge_index, W1, b1, W_mu, b_mu, W_sig, b_sig):
    pad = _NCHUNK * _CHUNK - _E
    src = jnp.concatenate([edge_index[0].astype(jnp.int32),
                           jnp.zeros((pad,), jnp.int32)])
    dst = jnp.concatenate([edge_index[1].astype(jnp.int32),
                           jnp.full((pad,), _N, jnp.int32)])
    src2d = jnp.concatenate([src, src + _NP]).reshape(_NC * _NCHUNK, _CHUNK)
    dst2d = dst.reshape(_NCHUNK, _CHUNK)

    deg2 = _sc_degree(dst2d, jnp.ones((_CHUNK, _CH), jnp.float32),
                      jnp.zeros((_NP, _CH), jnp.float32))
    W2 = jnp.concatenate([W_mu, W_sig], axis=1)

    u1 = _sc_aggregate(_mm_scale(x, W1, deg2).reshape(_NC * _NP, _CH),
                       src2d, dst2d)
    u2 = _sc_aggregate(_mid(u1, deg2, b1.reshape(1, -1), W2)
                       .reshape(_NC * _NP, _CH), src2d, dst2d)
    return _final(u2, deg2, b_mu.reshape(1, _CH), b_sig.reshape(1, _CH))

# --- scband reference (transcript-rebuilt; emitter-appended) ---
"""Pipeline reference for scband-vgae-encoder-14164802142861 (READ-ONLY COPY).

The authoritative reference and input builder live on the scoring server;
editing this copy changes nothing except your own understanding.
"""

import jax, jax.numpy as jnp
import numpy as np

N_NODES = 10000
N_EDGES = 160000
IN_CH = 256
OUT_CH = 128
HID_CH = 2 * OUT_CH


def setup_inputs(seed: int = 0) -> dict:
    key = jax.random.key(seed)
    k1, k2, k3, k4, k5 = jax.random.split(key, 5)
    x = jax.random.normal(k1, (N_NODES, IN_CH), dtype=jnp.float32)
    edge_index = jax.random.randint(k2, (2, N_EDGES), 0, N_NODES, dtype=jnp.int64)
    # GCNConv weights (Glorot-ish scale)
    W1 = jax.random.normal(k3, (IN_CH, HID_CH), dtype=jnp.float32) * (1.0 / np.sqrt(IN_CH))
    b1 = jnp.zeros((HID_CH,), dtype=jnp.float32)
    W_mu = jax.random.normal(k4, (HID_CH, OUT_CH), dtype=jnp.float32) * (1.0 / np.sqrt(HID_CH))
    b_mu = jnp.zeros((OUT_CH,), dtype=jnp.float32)
    W_sig = jax.random.normal(k5, (HID_CH, OUT_CH), dtype=jnp.float32) * (1.0 / np.sqrt(HID_CH))
    b_sig = jnp.zeros((OUT_CH,), dtype=jnp.float32)
    return {"x": x, "edge_index": edge_index, "W1": W1, "b1": b1,
            "W_mu": W_mu, "b_mu": b_mu, "W_sig": W_sig, "b_sig": b_sig}


def _gcn_conv(h, W, b, src, dst, norm, n_nodes):
    # PyG GCNConv: linear transform, then normalized scatter-add aggregation
    h = h @ W
    msg = h[src] * norm[:, None]
    out = jax.ops.segment_sum(msg, dst, num_segments=n_nodes)
    return out + b


def reference(x, edge_index, W1, b1, W_mu, b_mu, W_sig, b_sig):
    n = x.shape[0]
    src = edge_index[0]
    dst = edge_index[1]
    # add self-loops (GCNConv default add_self_loops=True)
    loop = jnp.arange(n, dtype=edge_index.dtype)
    src_f = jnp.concatenate([src, loop])
    dst_f = jnp.concatenate([dst, loop])
    ones = jnp.ones(src_f.shape[0], dtype=jnp.float32)
    deg = jax.ops.segment_sum(ones, dst_f, num_segments=n)
    dinv = jax.lax.rsqrt(jnp.maximum(deg, 1e-12))
    norm = dinv[src_f] * dinv[dst_f]

    h = jax.nn.relu(_gcn_conv(x, W1, b1, src_f, dst_f, norm, n))
    # Dropout(p=0.33) acts as identity in eval/deterministic reference
    x_mu = _gcn_conv(h, W_mu, b_mu, src_f, dst_f, norm, n)
    x_sig = _gcn_conv(h, W_sig, b_sig, src_f, dst_f, norm, n)
    return (x_mu, x_sig)

if __name__ == "__main__":
    import jax
    _d = setup_inputs()
    print(jax.jit(kernel)(*tuple(_d.values())))

</pallas_src>

<mosaic_0001>
#map = affine_map<(d0, d1) -> (0, 0)>
#map1 = affine_map<(d0, d1) -> (0, 0, 0)>
module attributes {stable_mosaic.version = 14 : i64} {
  func.func @body(%arg0: i32, %arg1: i32, %arg2: memref<1280x128xi32, #tpu.memory_space<hbm>>, %arg3: memref<128x128xf32, #tpu.memory_space<hbm>>, %arg4: memref<10240x128xf32, #tpu.memory_space<hbm>>, %arg5: memref<2x10240x128xf32, #tpu.memory_space<hbm>>, %arg6: memref<40x128xi32, #tpu.memory_space<vmem>>, %arg7: memref<128x128xf32, #tpu.memory_space<vmem>>, %arg8: memref<10240x128xf32, #tpu.memory_space<vmem_shared>>) attributes {dimension_semantics = [#tpu.dimension_semantics<core_parallel>, #tpu.dimension_semantics<subcore_parallel>], iteration_bounds = array<i64: 2, 16>, scalar_prefetch = 0 : i64, scratch_operands = 3 : i64, tpu.core_type = #tpu.core_type<sc_vector_subcore>, window_params = [{transform_indices = #map}, {transform_indices = #map}, {transform_indices = #map}, {transform_indices = #map1}]} {
    %mul3A = arith.constant 16 : i32
    %mul3A_0 = arith.muli %arg0, %mul3A : i32
    %add3A = arith.addi %mul3A_0, %arg1 : i32
    "tpu.region"() ({
      %run_scoped3A = tpu.sem_alloc : memref<!tpu.dma_semaphore, #tpu.memory_space<semaphore_mem>>
      tpu.enqueue_dma source(%arg3 : memref<128x128xf32, #tpu.memory_space<hbm>>) target(%arg7 : memref<128x128xf32, #tpu.memory_space<vmem>>) target_semaphore(%run_scoped3A : memref<!tpu.dma_semaphore, #tpu.memory_space<semaphore_mem>>)
      tpu.wait_dma2 semaphore(%run_scoped3A : memref<!tpu.dma_semaphore, #tpu.memory_space<semaphore_mem>>) src(%arg3 : memref<128x128xf32, #tpu.memory_space<hbm>>) dst(%arg7 : memref<128x128xf32, #tpu.memory_space<vmem>>)
      tpu.yield
    }) : () -> ()
    %mul3A_1 = arith.constant 640 : i32
    %mul3A_2 = arith.muli %arg1, %mul3A_1 : i32
    %mul3A_3 = arith.constant 640 : i32
    %mul3A_4 = arith.muli %arg1, %mul3A_3 : i32
    "tpu.region"() ({
      %run_scoped3A = tpu.sem_alloc : memref<!tpu.dma_semaphore, #tpu.memory_space<semaphore_mem>>
      %dma_start3A = arith.constant 0 : i32
      %dma_start3A_17 = tpu.memref_slice %arg8[%mul3A_4, %dma_start3A] : memref<10240x128xf32, #tpu.memory_space<vmem_shared>> -> memref<640x128xf32, #tpu.memory_space<vmem_shared>>
      %dma_start3A_18 = arith.constant 0 : i32
      %dma_start3A_19 = tpu.memref_slice %arg4[%mul3A_2, %dma_start3A_18] : memref<10240x128xf32, #tpu.memory_space<hbm>> -> memref<640x128xf32, #tpu.memory_space<hbm>>
      tpu.enqueue_dma source(%dma_start3A_19 : memref<640x128xf32, #tpu.memory_space<hbm>>) target(%dma_start3A_17 : memref<640x128xf32, #tpu.memory_space<vmem_shared>>) target_semaphore(%run_scoped3A : memref<!tpu.dma_semaphore, #tpu.memory_space<semaphore_mem>>)
      %dma_wait3A = arith.constant 0 : i32
      %dma_wait3A_20 = tpu.memref_slice %arg8[%mul3A_4, %dma_wait3A] : memref<10240x128xf32, #tpu.memory_space<vmem_shared>> -> memref<640x128xf32, #tpu.memory_space<vmem_shared>>
      %dma_wait3A_21 = arith.constant 0 : i32
      %dma_wait3A_22 = tpu.memref_slice %arg4[%mul3A_2, %dma_wait3A_21] : memref<10240x128xf32, #tpu.memory_space<hbm>> -> memref<640x128xf32, #tpu.memory_space<hbm>>
      tpu.wait_dma2 semaphore(%run_scoped3A : memref<!tpu.dma_semaphore, #tpu.memory_space<semaphore_mem>>) src(%dma_wait3A_22 : memref<640x128xf32, #tpu.memory_space<hbm>>) dst(%dma_wait3A_20 : memref<640x128xf32, #tpu.memory_space<vmem_shared>>)
      tpu.yield
    }) : () -> ()
    %mul3A_5 = arith.constant 40 : i32
    %mul3A_6 = arith.muli %add3A, %mul3A_5 : i32
    "tpu.region"() ({
      %run_scoped3A = tpu.sem_alloc : memref<!tpu.dma_semaphore, #tpu.memory_space<semaphore_mem>>
      %dma_start3A = arith.constant 0 : i32
      %dma_start3A_17 = tpu.memref_slice %arg2[%mul3A_6, %dma_start3A] : memref<1280x128xi32, #tpu.memory_space<hbm>> -> memref<40x128xi32, #tpu.memory_space<hbm>>
      %dma_start3A_18 = arith.constant 0 : i32
      %dma_start3A_19 = tpu.memref_slice %arg2[%mul3A_6, %dma_start3A_18] : memref<1280x128xi32, #tpu.memory_space<hbm>> -> memref<40x128xi32, #tpu.memory_space<hbm>>
      tpu.enqueue_dma source(%dma_start3A_19 : memref<40x128xi32, #tpu.memory_space<hbm>>) target(%arg6 : memref<40x128xi32, #tpu.memory_space<vmem>>) target_semaphore(%run_scoped3A : memref<!tpu.dma_semaphore, #tpu.memory_space<semaphore_mem>>)
      %dma_wait3A = arith.constant 0 : i32
      %dma_wait3A_20 = tpu.memref_slice %arg2[%mul3A_6, %dma_wait3A] : memref<1280x128xi32, #tpu.memory_space<hbm>> -> memref<40x128xi32, #tpu.memory_space<hbm>>
      %dma_wait3A_21 = arith.constant 0 : i32
      %dma_wait3A_22 = tpu.memref_slice %arg2[%mul3A_6, %dma_wait3A_21] : memref<1280x128xi32, #tpu.memory_space<hbm>> -> memref<40x128xi32, #tpu.memory_space<hbm>>
      tpu.wait_dma2 semaphore(%run_scoped3A : memref<!tpu.dma_semaphore, #tpu.memory_space<semaphore_mem>>) src(%dma_wait3A_22 : memref<40x128xi32, #tpu.memory_space<hbm>>) dst(%arg6 : memref<40x128xi32, #tpu.memory_space<vmem>>)
      tpu.yield
    }) : () -> ()
    %barrier3A = arith.constant 0 : index
    tpu.barrier barrier_id(%barrier3A)
    %scan3A = arith.constant 0 : i32
    %scan3A_7 = arith.constant 0 : i32
    %scan3A_8 = arith.constant 40 : i32
    %scan3A_9 = arith.addi %scan3A_7, %scan3A_8 : i32
    %scan3A_10 = arith.constant 1 : i32
    scf.for %scan3A_17 = %scan3A_7 to %scan3A_9 step %scan3A_10  : i32 {
      "tpu.region"() ({
        %run_scoped3A = tpu.sem_alloc : memref<!tpu.dma_semaphore, #tpu.memory_space<semaphore_mem>>
        %dma_start3A = arith.constant 0 : i32
        %dma_start3A_18 = tpu.memref_slice %arg6[%scan3A_17, %dma_start3A] : memref<40x128xi32, #tpu.memory_space<vmem>> -> memref<1x128xi32, #tpu.memory_space<vmem>>
        %dma_start3A_19 = tpu.memref_squeeze %dma_start3A_18 : memref<1x128xi32, #tpu.memory_space<vmem>> -> memref<128xi32, #tpu.memory_space<vmem>>
        %dma_start3A_20 = arith.constant 0 : i32
        %dma_start3A_21 = arith.constant 0 : i32
        %dma_start3A_22 = tpu.memref_slice %arg8[%dma_start3A_20, %dma_start3A_21] : memref<10240x128xf32, #tpu.memory_space<vmem_shared>> -> memref<10240x128xf32, #tpu.memory_space<vmem_shared>>
        tpu.enqueue_indirect_dma source(%arg7 : memref<128x128xf32, #tpu.memory_space<vmem>>) target(%dma_start3A_22 : memref<10240x128xf32, #tpu.memory_space<vmem_shared>>) offsets(%dma_start3A_19 : memref<128xi32, #tpu.memory_space<vmem>>) semaphore(%run_scoped3A : memref<!tpu.dma_semaphore, #tpu.memory_space<semaphore_mem>>) {add = true}
        %dma_wait3A = arith.constant 0 : i32
        %dma_wait3A_23 = tpu.memref_slice %arg6[%scan3A_17, %dma_wait3A] : memref<40x128xi32, #tpu.memory_space<vmem>> -> memref<1x128xi32, #tpu.memory_space<vmem>>
        %dma_wait3A_24 = tpu.memref_squeeze %dma_wait3A_23 : memref<1x128xi32, #tpu.memory_space<vmem>> -> memref<128xi32, #tpu.memory_space<vmem>>
        %dma_wait3A_25 = arith.constant 0 : i32
        %dma_wait3A_26 = arith.constant 0 : i32
        %dma_wait3A_27 = tpu.memref_slice %arg8[%dma_wait3A_25, %dma_wait3A_26] : memref<10240x128xf32, #tpu.memory_space<vmem_shared>> -> memref<10240x128xf32, #tpu.memory_space<vmem_shared>>
        tpu.wait_indirect_dma semaphore(%run_scoped3A : memref<!tpu.dma_semaphore, #tpu.memory_space<semaphore_mem>>) src(%arg7 : memref<128x128xf32, #tpu.memory_space<vmem>>) dst(%dma_wait3A_27 : memref<10240x128xf32, #tpu.memory_space<vmem_shared>>)
        tpu.yield
      }) : () -> ()
    }
    %scan3A_11 = arith.constant 40 : i32
    %barrier3A_12 = arith.constant 0 : index
    tpu.barrier barrier_id(%barrier3A_12)
    %mul3A_13 = arith.constant 640 : i32
    %mul3A_14 = arith.muli %arg1, %mul3A_13 : i32
    %mul3A_15 = arith.constant 640 : i32
    %mul3A_16 = arith.muli %arg1, %mul3A_15 : i32
    "tpu.region"() ({
      %run_scoped3A = tpu.sem_alloc : memref<!tpu.dma_semaphore, #tpu.memory_space<semaphore_mem>>
      %dma_start3A = arith.constant 0 : i32
      %dma_start3A_17 = tpu.memref_slice %arg5[%arg0, %mul3A_16, %dma_start3A] : memref<2x10240x128xf32, #tpu.memory_space<hbm>> -> memref<1x640x128xf32, #tpu.memory_space<hbm>>
      %dma_start3A_18 = tpu.memref_squeeze %dma_start3A_17 : memref<1x640x128xf32, #tpu.memory_space<hbm>> -> memref<640x128xf32, #tpu.memory_space<hbm>>
      %dma_start3A_19 = arith.constant 0 : i32
      %dma_start3A_20 = tpu.memref_slice %arg8[%mul3A_14, %dma_start3A_19] : memref<10240x128xf32, #tpu.memory_space<vmem_shared>> -> memref<640x128xf32, #tpu.memory_space<vmem_shared>>
      tpu.enqueue_dma source(%dma_start3A_20 : memref<640x128xf32, #tpu.memory_space<vmem_shared>>) target(%dma_start3A_18 : memref<640x128xf32, #tpu.memory_space<hbm>>) target_semaphore(%run_scoped3A : memref<!tpu.dma_semaphore, #tpu.memory_space<semaphore_mem>>)
      %dma_wait3A = arith.constant 0 : i32
      %dma_wait3A_21 = tpu.memref_slice %arg5[%arg0, %mul3A_16, %dma_wait3A] : memref<2x10240x128xf32, #tpu.memory_space<hbm>> -> memref<1x640x128xf32, #tpu.memory_space<hbm>>
      %dma_wait3A_22 = tpu.memref_squeeze %dma_wait3A_21 : memref<1x640x128xf32, #tpu.memory_space<hbm>> -> memref<640x128xf32, #tpu.memory_space<hbm>>
      %dma_wait3A_23 = arith.constant 0 : i32
      %dma_wait3A_24 = tpu.memref_slice %arg8[%mul3A_14, %dma_wait3A_23] : memref<10240x128xf32, #tpu.memory_space<vmem_shared>> -> memref<640x128xf32, #tpu.memory_space<vmem_shared>>
      tpu.wait_dma2 semaphore(%run_scoped3A : memref<!tpu.dma_semaphore, #tpu.memory_space<semaphore_mem>>) src(%dma_wait3A_24 : memref<640x128xf32, #tpu.memory_space<vmem_shared>>) dst(%dma_wait3A_22 : memref<640x128xf32, #tpu.memory_space<hbm>>)
      tpu.yield
    }) : () -> ()
    return
  }
}

#map = affine_map<(d0, d1) -> (0, 0)>
#map1 = affine_map<(d0, d1) -> (0, 0, 0)>
module attributes {stable_mosaic.version = 14 : i64} {
  func.func @body(%arg0: i32, %arg1: i32, %arg2: memref<20480x128xf32, #tpu.memory_space<hbm>>, %arg3: memref<2560x128xi32, #tpu.memory_space<hbm>>, %arg4: memref<1280x128xi32, #tpu.memory_space<hbm>>, %arg5: memref<2x10240x128xf32, #tpu.memory_space<hbm>>, %arg6: memref<40x128xi32, #tpu.memory_space<vmem>>, %arg7: memref<40x128xi32, #tpu.memory_space<vmem>>, %arg8: memref<128x128xf32, #tpu.memory_space<vmem>>, %arg9: memref<128x128xf32, #tpu.memory_space<vmem>>, %arg10: memref<10240x128xf32, #tpu.memory_space<vmem_shared>>, %arg11: memref<!tpu.dma_semaphore, #tpu.memory_space<semaphore_mem>>, %arg12: memref<!tpu.dma_semaphore, #tpu.memory_space<semaphore_mem>>) attributes {dimension_semantics = [#tpu.dimension_semantics<core_parallel>, #tpu.dimension_semantics<subcore_parallel>], iteration_bounds = array<i64: 2, 16>, scalar_prefetch = 0 : i64, scratch_operands = 7 : i64, tpu.core_type = #tpu.core_type<sc_vector_subcore>, window_params = [{transform_indices = #map}, {transform_indices = #map}, {transform_indices = #map}, {transform_indices = #map1}]} {
    %mul3A = arith.constant 10240 : i32
    %mul3A_0 = arith.muli %arg0, %mul3A : i32
    %mul3A_1 = arith.constant 640 : i32
    %mul3A_2 = arith.muli %arg1, %mul3A_1 : i32
    %add3A = arith.addi %mul3A_0, %mul3A_2 : i32
    %mul3A_3 = arith.constant 640 : i32
    %mul3A_4 = arith.muli %arg1, %mul3A_3 : i32
    "tpu.region"() ({
      %run_scoped3A = tpu.sem_alloc : memref<!tpu.dma_semaphore, #tpu.memory_space<semaphore_mem>>
      %dma_start3A_61 = arith.constant 0 : i32
      %dma_start3A_62 = tpu.memref_slice %arg10[%mul3A_4, %dma_start3A_61] : memref<10240x128xf32, #tpu.memory_space<vmem_shared>> -> memref<640x128xf32, #tpu.memory_space<vmem_shared>>
      %dma_start3A_63 = arith.constant 0 : i32
      %dma_start3A_64 = tpu.memref_slice %arg2[%add3A, %dma_start3A_63] : memref<20480x128xf32, #tpu.memory_space<hbm>> -> memref<640x128xf32, #tpu.memory_space<hbm>>
      tpu.enqueue_dma source(%dma_start3A_64 : memref<640x128xf32, #tpu.memory_space<hbm>>) target(%dma_start3A_62 : memref<640x128xf32, #tpu.memory_space<vmem_shared>>) target_semaphore(%run_scoped3A : memref<!tpu.dma_semaphore, #tpu.memory_space<semaphore_mem>>)
      %dma_wait3A_65 = arith.constant 0 : i32
      %dma_wait3A_66 = tpu.memref_slice %arg10[%mul3A_4, %dma_wait3A_65] : memref<10240x128xf32, #tpu.memory_space<vmem_shared>> -> memref<640x128xf32, #tpu.memory_space<vmem_shared>>
      %dma_wait3A_67 = arith.constant 0 : i32
      %dma_wait3A_68 = tpu.memref_slice %arg2[%add3A, %dma_wait3A_67] : memref<20480x128xf32, #tpu.memory_space<hbm>> -> memref<640x128xf32, #tpu.memory_space<hbm>>
      tpu.wait_dma2 semaphore(%run_scoped3A : memref<!tpu.dma_semaphore, #tpu.memory_space<semaphore_mem>>) src(%dma_wait3A_68 : memref<640x128xf32, #tpu.memory_space<hbm>>) dst(%dma_wait3A_66 : memref<640x128xf32, #tpu.memory_space<vmem_shared>>)
      tpu.yield
    }) : () -> ()
    %barrier3A = arith.constant 0 : index
    tpu.barrier barrier_id(%barrier3A)
    %mul3A_5 = arith.constant 80 : i32
    %mul3A_6 = arith.muli %arg1, %mul3A_5 : i32
    %add3A_7 = arith.constant 0 : i32
    %add3A_8 = arith.addi %mul3A_6, %add3A_7 : i32
    %mul3A_9 = arith.constant 1280 : i32
    %mul3A_10 = arith.muli %arg0, %mul3A_9 : i32
    %add3A_11 = arith.addi %mul3A_10, %add3A_8 : i32
    "tpu.region"() ({
      %run_scoped3A = tpu.sem_alloc : memref<!tpu.dma_semaphore, #tpu.memory_space<semaphore_mem>>
      %dma_start3A_61 = arith.constant 0 : i32
      %dma_start3A_62 = tpu.memref_slice %arg3[%add3A_11, %dma_start3A_61] : memref<2560x128xi32, #tpu.memory_space<hbm>> -> memref<40x128xi32, #tpu.memory_space<hbm>>
      %dma_start3A_63 = arith.constant 0 : i32
      %dma_start3A_64 = tpu.memref_slice %arg3[%add3A_11, %dma_start3A_63] : memref<2560x128xi32, #tpu.memory_space<hbm>> -> memref<40x128xi32, #tpu.memory_space<hbm>>
      tpu.enqueue_dma source(%dma_start3A_64 : memref<40x128xi32, #tpu.memory_space<hbm>>) target(%arg6 : memref<40x128xi32, #tpu.memory_space<vmem>>) target_semaphore(%run_scoped3A : memref<!tpu.dma_semaphore, #tpu.memory_space<semaphore_mem>>)
      %dma_wait3A_65 = arith.constant 0 : i32
      %dma_wait3A_66 = tpu.memref_slice %arg3[%add3A_11, %dma_wait3A_65] : memref<2560x128xi32, #tpu.memory_space<hbm>> -> memref<40x128xi32, #tpu.memory_space<hbm>>
      %dma_wait3A_67 = arith.constant 0 : i32
      %dma_wait3A_68 = tpu.memref_slice %arg3[%add3A_11, %dma_wait3A_67] : memref<2560x128xi32, #tpu.memory_space<hbm>> -> memref<40x128xi32, #tpu.memory_space<hbm>>
      tpu.wait_dma2 semaphore(%run_scoped3A : memref<!tpu.dma_semaphore, #tpu.memory_space<semaphore_mem>>) src(%dma_wait3A_68 : memref<40x128xi32, #tpu.memory_space<hbm>>) dst(%arg6 : memref<40x128xi32, #tpu.memory_space<vmem>>)
      tpu.yield
    }) : () -> ()
    "tpu.region"() ({
      %run_scoped3A = tpu.sem_alloc : memref<!tpu.dma_semaphore, #tpu.memory_space<semaphore_mem>>
      %dma_start3A_61 = arith.constant 0 : i32
      %dma_start3A_62 = tpu.memref_slice %arg4[%add3A_8, %dma_start3A_61] : memref<1280x128xi32, #tpu.memory_space<hbm>> -> memref<40x128xi32, #tpu.memory_space<hbm>>
      %dma_start3A_63 = arith.constant 0 : i32
      %dma_start3A_64 = tpu.memref_slice %arg4[%add3A_8, %dma_start3A_63] : memref<1280x128xi32, #tpu.memory_space<hbm>> -> memref<40x128xi32, #tpu.memory_space<hbm>>
      tpu.enqueue_dma source(%dma_start3A_64 : memref<40x128xi32, #tpu.memory_space<hbm>>) target(%arg7 : memref<40x128xi32, #tpu.memory_space<vmem>>) target_semaphore(%run_scoped3A : memref<!tpu.dma_semaphore, #tpu.memory_space<semaphore_mem>>)
      %dma_wait3A_65 = arith.constant 0 : i32
      %dma_wait3A_66 = tpu.memref_slice %arg4[%add3A_8, %dma_wait3A_65] : memref<1280x128xi32, #tpu.memory_space<hbm>> -> memref<40x128xi32, #tpu.memory_space<hbm>>
      %dma_wait3A_67 = arith.constant 0 : i32
      %dma_wait3A_68 = tpu.memref_slice %arg4[%add3A_8, %dma_wait3A_67] : memref<1280x128xi32, #tpu.memory_space<hbm>> -> memref<40x128xi32, #tpu.memory_space<hbm>>
      tpu.wait_dma2 semaphore(%run_scoped3A : memref<!tpu.dma_semaphore, #tpu.memory_space<semaphore_mem>>) src(%dma_wait3A_68 : memref<40x128xi32, #tpu.memory_space<hbm>>) dst(%arg7 : memref<40x128xi32, #tpu.memory_space<vmem>>)
      tpu.yield
    }) : () -> ()
    %dma_start3A = arith.constant 0 : i32
    %dma_start3A_12 = arith.constant 0 : i32
    %dma_start3A_13 = tpu.memref_slice %arg6[%dma_start3A, %dma_start3A_12] : memref<40x128xi32, #tpu.memory_space<vmem>> -> memref<1x128xi32, #tpu.memory_space<vmem>>
    %dma_start3A_14 = tpu.memref_squeeze %dma_start3A_13 : memref<1x128xi32, #tpu.memory_space<vmem>> -> memref<128xi32, #tpu.memory_space<vmem>>
    %dma_start3A_15 = arith.constant 0 : i32
    %dma_start3A_16 = arith.constant 0 : i32
    %dma_start3A_17 = tpu.memref_slice %arg2[%dma_start3A_15, %dma_start3A_16] : memref<20480x128xf32, #tpu.memory_space<hbm>> -> memref<20480x128xf32, #tpu.memory_space<hbm>>
    tpu.enqueue_indirect_dma source(%dma_start3A_17 : memref<20480x128xf32, #tpu.memory_space<hbm>>) target(%arg8 : memref<128x128xf32, #tpu.memory_space<vmem>>) offsets(%dma_start3A_14 : memref<128xi32, #tpu.memory_space<vmem>>) semaphore(%arg11 : memref<!tpu.dma_semaphore, #tpu.memory_space<semaphore_mem>>)
    %scan3A = arith.constant 0 : i32
    %scan3A_18 = arith.constant 0 : i32
    %scan3A_19 = arith.constant 20 : i32
    %scan3A_20 = arith.addi %scan3A_18, %scan3A_19 : i32
    %scan3A_21 = arith.constant 1 : i32
    scf.for %scan3A_61 = %scan3A_18 to %scan3A_20 step %scan3A_21  : i32 {
      %mul3A_62 = arith.constant 2 : i32
      %mul3A_63 = arith.muli %mul3A_62, %scan3A_61 : i32
      %add3A_64 = arith.constant 1 : i32
      %add3A_65 = arith.addi %mul3A_63, %add3A_64 : i32
      %dma_start3A_66 = arith.constant 0 : i32
      %dma_start3A_67 = tpu.memref_slice %arg6[%add3A_65, %dma_start3A_66] : memref<40x128xi32, #tpu.memory_space<vmem>> -> memref<1x128xi32, #tpu.memory_space<vmem>>
      %dma_start3A_68 = tpu.memref_squeeze %dma_start3A_67 : memref<1x128xi32, #tpu.memory_space<vmem>> -> memref<128xi32, #tpu.memory_space<vmem>>
      %dma_start3A_69 = arith.constant 0 : i32
      %dma_start3A_70 = arith.constant 0 : i32
      %dma_start3A_71 = tpu.memref_slice %arg2[%dma_start3A_69, %dma_start3A_70] : memref<20480x128xf32, #tpu.memory_space<hbm>> -> memref<20480x128xf32, #tpu.memory_space<hbm>>
      tpu.enqueue_indirect_dma source(%dma_start3A_71 : memref<20480x128xf32, #tpu.memory_space<hbm>>) target(%arg9 : memref<128x128xf32, #tpu.memory_space<vmem>>) offsets(%dma_start3A_68 : memref<128xi32, #tpu.memory_space<vmem>>) semaphore(%arg12 : memref<!tpu.dma_semaphore, #tpu.memory_space<semaphore_mem>>)
      %dma_wait3A_72 = arith.constant 0 : i32
      %dma_wait3A_73 = arith.constant 0 : i32
      %dma_wait3A_74 = tpu.memref_slice %arg6[%dma_wait3A_72, %dma_wait3A_73] : memref<40x128xi32, #tpu.memory_space<vmem>> -> memref<1x128xi32, #tpu.memory_space<vmem>>
      %dma_wait3A_75 = tpu.memref_squeeze %dma_wait3A_74 : memref<1x128xi32, #tpu.memory_space<vmem>> -> memref<128xi32, #tpu.memory_space<vmem>>
      %dma_wait3A_76 = arith.constant 0 : i32
      %dma_wait3A_77 = arith.constant 0 : i32
      %dma_wait3A_78 = tpu.memref_slice %arg2[%dma_wait3A_76, %dma_wait3A_77] : memref<20480x128xf32, #tpu.memory_space<hbm>> -> memref<20480x128xf32, #tpu.memory_space<hbm>>
      tpu.wait_indirect_dma semaphore(%arg11 : memref<!tpu.dma_semaphore, #tpu.memory_space<semaphore_mem>>) src(%dma_wait3A_78 : memref<20480x128xf32, #tpu.memory_space<hbm>>) dst(%arg8 : memref<128x128xf32, #tpu.memory_space<vmem>>)
      "tpu.region"() ({
        %run_scoped3A = tpu.sem_alloc : memref<!tpu.dma_semaphore, #tpu.memory_space<semaphore_mem>>
        %dma_start3A_97 = arith.constant 0 : i32
        %dma_start3A_98 = tpu.memref_slice %arg7[%mul3A_63, %dma_start3A_97] : memref<40x128xi32, #tpu.memory_space<vmem>> -> memref<1x128xi32, #tpu.memory_space<vmem>>
        %dma_start3A_99 = tpu.memref_squeeze %dma_start3A_98 : memref<1x128xi32, #tpu.memory_space<vmem>> -> memref<128xi32, #tpu.memory_space<vmem>>
        %dma_start3A_100 = arith.constant 0 : i32
        %dma_start3A_101 = arith.constant 0 : i32
        %dma_start3A_102 = tpu.memref_slice %arg10[%dma_start3A_100, %dma_start3A_101] : memref<10240x128xf32, #tpu.memory_space<vmem_shared>> -> memref<10240x128xf32, #tpu.memory_space<vmem_shared>>
        tpu.enqueue_indirect_dma source(%arg8 : memref<128x128xf32, #tpu.memory_space<vmem>>) target(%dma_start3A_102 : memref<10240x128xf32, #tpu.memory_space<vmem_shared>>) offsets(%dma_start3A_99 : memref<128xi32, #tpu.memory_space<vmem>>) semaphore(%run_scoped3A : memref<!tpu.dma_semaphore, #tpu.memory_space<semaphore_mem>>) {add = true}
        %dma_wait3A_103 = arith.constant 0 : i32
        %dma_wait3A_104 = tpu.memref_slice %arg7[%mul3A_63, %dma_wait3A_103] : memref<40x128xi32, #tpu.memory_space<vmem>> -> memref<1x128xi32, #tpu.memory_space<vmem>>
        %dma_wait3A_105 = tpu.memref_squeeze %dma_wait3A_104 : memref<1x128xi32, #tpu.memory_space<vmem>> -> memref<128xi32, #tpu.memory_space<vmem>>
        %dma_wait3A_106 = arith.constant 0 : i32
        %dma_wait3A_107 = arith.constant 0 : i32
        %dma_wait3A_108 = tpu.memref_slice %arg10[%dma_wait3A_106, %dma_wait3A_107] : memref<10240x128xf32, #tpu.memory_space<vmem_shared>> -> memref<10240x128xf32, #tpu.memory_space<vmem_shared>>
        tpu.wait_indirect_dma semaphore(%run_scoped3A : memref<!tpu.dma_semaphore, #tpu.memory_space<semaphore_mem>>) src(%arg8 : memref<128x128xf32, #tpu.memory_space<vmem>>) dst(%dma_wait3A_108 : memref<10240x128xf32, #tpu.memory_space<vmem_shared>>)
        tpu.yield
      }) : () -> ()
      %add3A_79 = arith.constant 2 : i32
      %add3A_80 = arith.addi %mul3A_63, %add3A_79 : i32
      %min3A = arith.constant 39 : i32
      %min3A_81 = arith.minsi %add3A_80, %min3A : i32
      %dma_start3A_82 = arith.constant 0 : i32
      %dma_start3A_83 = tpu.memref_slice %arg6[%min3A_81, %dma_start3A_82] : memref<40x128xi32, #tpu.memory_space<vmem>> -> memref<1x128xi32, #tpu.memory_space<vmem>>
      %dma_start3A_84 = tpu.memref_squeeze %dma_start3A_83 : memref<1x128xi32, #tpu.memory_space<vmem>> -> memref<128xi32, #tpu.memory_space<vmem>>
      %dma_start3A_85 = arith.constant 0 : i32
      %dma_start3A_86 = arith.constant 0 : i32
      %dma_start3A_87 = tpu.memref_slice %arg2[%dma_start3A_85, %dma_start3A_86] : memref<20480x128xf32, #tpu.memory_space<hbm>> -> memref<20480x128xf32, #tpu.memory_space<hbm>>
      tpu.enqueue_indirect_dma source(%dma_start3A_87 : memref<20480x128xf32, #tpu.memory_space<hbm>>) target(%arg8 : memref<128x128xf32, #tpu.memory_space<vmem>>) offsets(%dma_start3A_84 : memref<128xi32, #tpu.memory_space<vmem>>) semaphore(%arg11 : memref<!tpu.dma_semaphore, #tpu.memory_space<semaphore_mem>>)
      %dma_wait3A_88 = arith.constant 0 : i32
      %dma_wait3A_89 = arith.constant 0 : i32
      %dma_wait3A_90 = tpu.memref_slice %arg6[%dma_wait3A_88, %dma_wait3A_89] : memref<40x128xi32, #tpu.memory_space<vmem>> -> memref<1x128xi32, #tpu.memory_space<vmem>>
      %dma_wait3A_91 = tpu.memref_squeeze %dma_wait3A_90 : memref<1x128xi32, #tpu.memory_space<vmem>> -> memref<128xi32, #tpu.memory_space<vmem>>
      %dma_wait3A_92 = arith.constant 0 : i32
      %dma_wait3A_93 = arith.constant 0 : i32
      %dma_wait3A_94 = tpu.memref_slice %arg2[%dma_wait3A_92, %dma_wait3A_93] : memref<20480x128xf32, #tpu.memory_space<hbm>> -> memref<20480x128xf32, #tpu.memory_space<hbm>>
      tpu.wait_indirect_dma semaphore(%arg12 : memref<!tpu.dma_semaphore, #tpu.memory_space<semaphore_mem>>) src(%dma_wait3A_94 : memref<20480x128xf32, #tpu.memory_space<hbm>>) dst(%arg9 : memref<128x128xf32, #tpu.memory_space<vmem>>)
      %add3A_95 = arith.constant 1 : i32
      %add3A_96 = arith.addi %mul3A_63, %add3A_95 : i32
      "tpu.region"() ({
        %run_scoped3A = tpu.sem_alloc : memref<!tpu.dma_semaphore, #tpu.memory_space<semaphore_mem>>
        %dma_start3A_97 = arith.constant 0 : i32
        %dma_start3A_98 = tpu.memref_slice %arg7[%add3A_96, %dma_start3A_97] : memref<40x128xi32, #tpu.memory_space<vmem>> -> memref<1x128xi32, #tpu.memory_space<vmem>>
        %dma_start3A_99 = tpu.memref_squeeze %dma_start3A_98 : memref<1x128xi32, #tpu.memory_space<vmem>> -> memref<128xi32, #tpu.memory_space<vmem>>
        %dma_start3A_100 = arith.constant 0 : i32
        %dma_start3A_101 = arith.constant 0 : i32
        %dma_start3A_102 = tpu.memref_slice %arg10[%dma_start3A_100, %dma_start3A_101] : memref<10240x128xf32, #tpu.memory_space<vmem_shared>> -> memref<10240x128xf32, #tpu.memory_space<vmem_shared>>
        tpu.enqueue_indirect_dma source(%arg9 : memref<128x128xf32, #tpu.memory_space<vmem>>) target(%dma_start3A_102 : memref<10240x128xf32, #tpu.memory_space<vmem_shared>>) offsets(%dma_start3A_99 : memref<128xi32, #tpu.memory_space<vmem>>) semaphore(%run_scoped3A : memref<!tpu.dma_semaphore, #tpu.memory_space<semaphore_mem>>) {add = true}
        %dma_wait3A_103 = arith.constant 0 : i32
        %dma_wait3A_104 = tpu.memref_slice %arg7[%add3A_96, %dma_wait3A_103] : memref<40x128xi32, #tpu.memory_space<vmem>> -> memref<1x128xi32, #tpu.memory_space<vmem>>
        %dma_wait3A_105 = tpu.memref_squeeze %dma_wait3A_104 : memref<1x128xi32, #tpu.memory_space<vmem>> -> memref<128xi32, #tpu.memory_space<vmem>>
        %dma_wait3A_106 = arith.constant 0 : i32
        %dma_wait3A_107 = arith.constant 0 : i32
        %dma_wait3A_108 = tpu.memref_slice %arg10[%dma_wait3A_106, %dma_wait3A_107] : memref<10240x128xf32, #tpu.memory_space<vmem_shared>> -> memref<10240x128xf32, #tpu.memory_space<vmem_shared>>
        tpu.wait_indirect_dma semaphore(%run_scoped3A : memref<!tpu.dma_semaphore, #tpu.memory_space<semaphore_mem>>) src(%arg9 : memref<128x128xf32, #tpu.memory_space<vmem>>) dst(%dma_wait3A_108 : memref<10240x128xf32, #tpu.memory_space<vmem_shared>>)
        tpu.yield
      }) : () -> ()
    }
    %scan3A_22 = arith.constant 20 : i32
    %dma_wait3A = arith.constant 0 : i32
    %dma_wait3A_23 = arith.constant 0 : i32
    %dma_wait3A_24 = tpu.memref_slice %arg6[%dma_wait3A, %dma_wait3A_23] : memref<40x128xi32, #tpu.memory_space<vmem>> -> memref<1x128xi32, #tpu.memory_space<vmem>>
    %dma_wait3A_25 = tpu.memref_squeeze %dma_wait3A_24 : memref<1x128xi32, #tpu.memory_space<vmem>> -> memref<128xi32, #tpu.memory_space<vmem>>
    %dma_wait3A_26 = arith.constant 0 : i32
    %dma_wait3A_27 = arith.constant 0 : i32
    %dma_wait3A_28 = tpu.memref_slice %arg2[%dma_wait3A_26, %dma_wait3A_27] : memref<20480x128xf32, #tpu.memory_space<hbm>> -> memref<20480x128xf32, #tpu.memory_space<hbm>>
    tpu.wait_indirect_dma semaphore(%arg11 : memref<!tpu.dma_semaphore, #tpu.memory_space<semaphore_mem>>) src(%dma_wait3A_28 : memref<20480x128xf32, #tpu.memory_space<hbm>>) dst(%arg8 : memref<128x128xf32, #tpu.memory_space<vmem>>)
    %mul3A_29 = arith.constant 80 : i32
    %mul3A_30 = arith.muli %arg1, %mul3A_29 : i32
    %add3A_31 = arith.constant 40 : i32
    %add3A_32 = arith.addi %mul3A_30, %add3A_31 : i32
    %mul3A_33 = arith.constant 1280 : i32
    %mul3A_34 = arith.muli %arg0, %mul3A_33 : i32
    %add3A_35 = arith.addi %mul3A_34, %add3A_32 : i32
    "tpu.region"() ({
      %run_scoped3A = tpu.sem_alloc : memref<!tpu.dma_semaphore, #tpu.memory_space<semaphore_mem>>
      %dma_start3A_61 = arith.constant 0 : i32
      %dma_start3A_62 = tpu.memref_slice %arg3[%add3A_35, %dma_start3A_61] : memref<2560x128xi32, #tpu.memory_space<hbm>> -> memref<40x128xi32, #tpu.memory_space<hbm>>
      %dma_start3A_63 = arith.constant 0 : i32
      %dma_start3A_64 = tpu.memref_slice %arg3[%add3A_35, %dma_start3A_63] : memref<2560x128xi32, #tpu.memory_space<hbm>> -> memref<40x128xi32, #tpu.memory_space<hbm>>
      tpu.enqueue_dma source(%dma_start3A_64 : memref<40x128xi32, #tpu.memory_space<hbm>>) target(%arg6 : memref<40x128xi32, #tpu.memory_space<vmem>>) target_semaphore(%run_scoped3A : memref<!tpu.dma_semaphore, #tpu.memory_space<semaphore_mem>>)
      %dma_wait3A_65 = arith.constant 0 : i32
      %dma_wait3A_66 = tpu.memref_slice %arg3[%add3A_35, %dma_wait3A_65] : memref<2560x128xi32, #tpu.memory_space<hbm>> -> memref<40x128xi32, #tpu.memory_space<hbm>>
      %dma_wait3A_67 = arith.constant 0 : i32
      %dma_wait3A_68 = tpu.memref_slice %arg3[%add3A_35, %dma_wait3A_67] : memref<2560x128xi32, #tpu.memory_space<hbm>> -> memref<40x128xi32, #tpu.memory_space<hbm>>
      tpu.wait_dma2 semaphore(%run_scoped3A : memref<!tpu.dma_semaphore, #tpu.memory_space<semaphore_mem>>) src(%dma_wait3A_68 : memref<40x128xi32, #tpu.memory_space<hbm>>) dst(%arg6 : memref<40x128xi32, #tpu.memory_space<vmem>>)
      tpu.yield
    }) : () -> ()
    "tpu.region"() ({
      %run_scoped3A = tpu.sem_alloc : memref<!tpu.dma_semaphore, #tpu.memory_space<semaphore_mem>>
      %dma_start3A_61 = arith.constant 0 : i32
      %dma_start3A_62 = tpu.memref_slice %arg4[%add3A_32, %dma_start3A_61] : memref<1280x128xi32, #tpu.memory_space<hbm>> -> memref<40x128xi32, #tpu.memory_space<hbm>>
      %dma_start3A_63 = arith.constant 0 : i32
      %dma_start3A_64 = tpu.memref_slice %arg4[%add3A_32, %dma_start3A_63] : memref<1280x128xi32, #tpu.memory_space<hbm>> -> memref<40x128xi32, #tpu.memory_space<hbm>>
      tpu.enqueue_dma source(%dma_start3A_64 : memref<40x128xi32, #tpu.memory_space<hbm>>) target(%arg7 : memref<40x128xi32, #tpu.memory_space<vmem>>) target_semaphore(%run_scoped3A : memref<!tpu.dma_semaphore, #tpu.memory_space<semaphore_mem>>)
      %dma_wait3A_65 = arith.constant 0 : i32
      %dma_wait3A_66 = tpu.memref_slice %arg4[%add3A_32, %dma_wait3A_65] : memref<1280x128xi32, #tpu.memory_space<hbm>> -> memref<40x128xi32, #tpu.memory_space<hbm>>
      %dma_wait3A_67 = arith.constant 0 : i32
      %dma_wait3A_68 = tpu.memref_slice %arg4[%add3A_32, %dma_wait3A_67] : memref<1280x128xi32, #tpu.memory_space<hbm>> -> memref<40x128xi32, #tpu.memory_space<hbm>>
      tpu.wait_dma2 semaphore(%run_scoped3A : memref<!tpu.dma_semaphore, #tpu.memory_space<semaphore_mem>>) src(%dma_wait3A_68 : memref<40x128xi32, #tpu.memory_space<hbm>>) dst(%arg7 : memref<40x128xi32, #tpu.memory_space<vmem>>)
      tpu.yield
    }) : () -> ()
    %dma_start3A_36 = arith.constant 0 : i32
    %dma_start3A_37 = arith.constant 0 : i32
    %dma_start3A_38 = tpu.memref_slice %arg6[%dma_start3A_36, %dma_start3A_37] : memref<40x128xi32, #tpu.memory_space<vmem>> -> memref<1x128xi32, #tpu.memory_space<vmem>>
    %dma_start3A_39 = tpu.memref_squeeze %dma_start3A_38 : memref<1x128xi32, #tpu.memory_space<vmem>> -> memref<128xi32, #tpu.memory_space<vmem>>
    %dma_start3A_40 = arith.constant 0 : i32
    %dma_start3A_41 = arith.constant 0 : i32
    %dma_start3A_42 = tpu.memref_slice %arg2[%dma_start3A_40, %dma_start3A_41] : memref<20480x128xf32, #tpu.memory_space<hbm>> -> memref<20480x128xf32, #tpu.memory_space<hbm>>
    tpu.enqueue_indirect_dma source(%dma_start3A_42 : memref<20480x128xf32, #tpu.memory_space<hbm>>) target(%arg8 : memref<128x128xf32, #tpu.memory_space<vmem>>) offsets(%dma_start3A_39 : memref<128xi32, #tpu.memory_space<vmem>>) semaphore(%arg11 : memref<!tpu.dma_semaphore, #tpu.memory_space<semaphore_mem>>)
    %scan3A_43 = arith.constant 0 : i32
    %scan3A_44 = arith.constant 0 : i32
    %scan3A_45 = arith.constant 20 : i32
    %scan3A_46 = arith.addi %scan3A_44, %scan3A_45 : i32
    %scan3A_47 = arith.constant 1 : i32
    scf.for %scan3A_61 = %scan3A_44 to %scan3A_46 step %scan3A_47  : i32 {
      %mul3A_62 = arith.constant 2 : i32
      %mul3A_63 = arith.muli %mul3A_62, %scan3A_61 : i32
      %add3A_64 = arith.constant 1 : i32
      %add3A_65 = arith.addi %mul3A_63, %add3A_64 : i32
      %dma_start3A_66 = arith.constant 0 : i32
      %dma_start3A_67 = tpu.memref_slice %arg6[%add3A_65, %dma_start3A_66] : memref<40x128xi32, #tpu.memory_space<vmem>> -> memref<1x128xi32, #tpu.memory_space<vmem>>
      %dma_start3A_68 = tpu.memref_squeeze %dma_start3A_67 : memref<1x128xi32, #tpu.memory_space<vmem>> -> memref<128xi32, #tpu.memory_space<vmem>>
      %dma_start3A_69 = arith.constant 0 : i32
      %dma_start3A_70 = arith.constant 0 : i32
      %dma_start3A_71 = tpu.memref_slice %arg2[%dma_start3A_69, %dma_start3A_70] : memref<20480x128xf32, #tpu.memory_space<hbm>> -> memref<20480x128xf32, #tpu.memory_space<hbm>>
      tpu.enqueue_indirect_dma source(%dma_start3A_71 : memref<20480x128xf32, #tpu.memory_space<hbm>>) target(%arg9 : memref<128x128xf32, #tpu.memory_space<vmem>>) offsets(%dma_start3A_68 : memref<128xi32, #tpu.memory_space<vmem>>) semaphore(%arg12 : memref<!tpu.dma_semaphore, #tpu.memory_space<semaphore_mem>>)
      %dma_wait3A_72 = arith.constant 0 : i32
      %dma_wait3A_73 = arith.constant 0 : i32
      %dma_wait3A_74 = tpu.memref_slice %arg6[%dma_wait3A_72, %dma_wait3A_73] : memref<40x128xi32, #tpu.memory_space<vmem>> -> memref<1x128xi32, #tpu.memory_space<vmem>>
      %dma_wait3A_75 = tpu.memref_squeeze %dma_wait3A_74 : memref<1x128xi32, #tpu.memory_space<vmem>> -> memref<128xi32, #tpu.memory_space<vmem>>
      %dma_wait3A_76 = arith.constant 0 : i32
      %dma_wait3A_77 = arith.constant 0 : i32
      %dma_wait3A_78 = tpu.memref_slice %arg2[%dma_wait3A_76, %dma_wait3A_77] : memref<20480x128xf32, #tpu.memory_space<hbm>> -> memref<20480x128xf32, #tpu.memory_space<hbm>>
      tpu.wait_indirect_dma semaphore(%arg11 : memref<!tpu.dma_semaphore, #tpu.memory_space<semaphore_mem>>) src(%dma_wait3A_78 : memref<20480x128xf32, #tpu.memory_space<hbm>>) dst(%arg8 : memref<128x128xf32, #tpu.memory_space<vmem>>)
      "tpu.region"() ({
        %run_scoped3A = tpu.sem_alloc : memref<!tpu.dma_semaphore, #tpu.memory_space<semaphore_mem>>
        %dma_start3A_97 = arith.constant 0 : i32
        %dma_start3A_98 = tpu.memref_slice %arg7[%mul3A_63, %dma_start3A_97] : memref<40x128xi32, #tpu.memory_space<vmem>> -> memref<1x128xi32, #tpu.memory_space<vmem>>
        %dma_start3A_99 = tpu.memref_squeeze %dma_start3A_98 : memref<1x128xi32, #tpu.memory_space<vmem>> -> memref<128xi32, #tpu.memory_space<vmem>>
        %dma_start3A_100 = arith.constant 0 : i32
        %dma_start3A_101 = arith.constant 0 : i32
        %dma_start3A_102 = tpu.memref_slice %arg10[%dma_start3A_100, %dma_start3A_101] : memref<10240x128xf32, #tpu.memory_space<vmem_shared>> -> memref<10240x128xf32, #tpu.memory_space<vmem_shared>>
        tpu.enqueue_indirect_dma source(%arg8 : memref<128x128xf32, #tpu.memory_space<vmem>>) target(%dma_start3A_102 : memref<10240x128xf32, #tpu.memory_space<vmem_shared>>) offsets(%dma_start3A_99 : memref<128xi32, #tpu.memory_space<vmem>>) semaphore(%run_scoped3A : memref<!tpu.dma_semaphore, #tpu.memory_space<semaphore_mem>>) {add = true}
        %dma_wait3A_103 = arith.constant 0 : i32
        %dma_wait3A_104 = tpu.memref_slice %arg7[%mul3A_63, %dma_wait3A_103] : memref<40x128xi32, #tpu.memory_space<vmem>> -> memref<1x128xi32, #tpu.memory_space<vmem>>
        %dma_wait3A_105 = tpu.memref_squeeze %dma_wait3A_104 : memref<1x128xi32, #tpu.memory_space<vmem>> -> memref<128xi32, #tpu.memory_space<vmem>>
        %dma_wait3A_106 = arith.constant 0 : i32
        %dma_wait3A_107 = arith.constant 0 : i32
        %dma_wait3A_108 = tpu.memref_slice %arg10[%dma_wait3A_106, %dma_wait3A_107] : memref<10240x128xf32, #tpu.memory_space<vmem_shared>> -> memref<10240x128xf32, #tpu.memory_space<vmem_shared>>
        tpu.wait_indirect_dma semaphore(%run_scoped3A : memref<!tpu.dma_semaphore, #tpu.memory_space<semaphore_mem>>) src(%arg8 : memref<128x128xf32, #tpu.memory_space<vmem>>) dst(%dma_wait3A_108 : memref<10240x128xf32, #tpu.memory_space<vmem_shared>>)
        tpu.yield
      }) : () -> ()
      %add3A_79 = arith.constant 2 : i32
      %add3A_80 = arith.addi %mul3A_63, %add3A_79 : i32
      %min3A = arith.constant 39 : i32
      %min3A_81 = arith.minsi %add3A_80, %min3A : i32
      %dma_start3A_82 = arith.constant 0 : i32
      %dma_start3A_83 = tpu.memref_slice %arg6[%min3A_81, %dma_start3A_82] : memref<40x128xi32, #tpu.memory_space<vmem>> -> memref<1x128xi32, #tpu.memory_space<vmem>>
      %dma_start3A_84 = tpu.memref_squeeze %dma_start3A_83 : memref<1x128xi32, #tpu.memory_space<vmem>> -> memref<128xi32, #tpu.memory_space<vmem>>
      %dma_start3A_85 = arith.constant 0 : i32
      %dma_start3A_86 = arith.constant 0 : i32
      %dma_start3A_87 = tpu.memref_slice %arg2[%dma_start3A_85, %dma_start3A_86] : memref<20480x128xf32, #tpu.memory_space<hbm>> -> memref<20480x128xf32, #tpu.memory_space<hbm>>
      tpu.enqueue_indirect_dma source(%dma_start3A_87 : memref<20480x128xf32, #tpu.memory_space<hbm>>) target(%arg8 : memref<128x128xf32, #tpu.memory_space<vmem>>) offsets(%dma_start3A_84 : memref<128xi32, #tpu.memory_space<vmem>>) semaphore(%arg11 : memref<!tpu.dma_semaphore, #tpu.memory_space<semaphore_mem>>)
      %dma_wait3A_88 = arith.constant 0 : i32
      %dma_wait3A_89 = arith.constant 0 : i32
      %dma_wait3A_90 = tpu.memref_slice %arg6[%dma_wait3A_88, %dma_wait3A_89] : memref<40x128xi32, #tpu.memory_space<vmem>> -> memref<1x128xi32, #tpu.memory_space<vmem>>
      %dma_wait3A_91 = tpu.memref_squeeze %dma_wait3A_90 : memref<1x128xi32, #tpu.memory_space<vmem>> -> memref<128xi32, #tpu.memory_space<vmem>>
      %dma_wait3A_92 = arith.constant 0 : i32
      %dma_wait3A_93 = arith.constant 0 : i32
      %dma_wait3A_94 = tpu.memref_slice %arg2[%dma_wait3A_92, %dma_wait3A_93] : memref<20480x128xf32, #tpu.memory_space<hbm>> -> memref<20480x128xf32, #tpu.memory_space<hbm>>
      tpu.wait_indirect_dma semaphore(%arg12 : memref<!tpu.dma_semaphore, #tpu.memory_space<semaphore_mem>>) src(%dma_wait3A_94 : memref<20480x128xf32, #tpu.memory_space<hbm>>) dst(%arg9 : memref<128x128xf32, #tpu.memory_space<vmem>>)
      %add3A_95 = arith.constant 1 : i32
      %add3A_96 = arith.addi %mul3A_63, %add3A_95 : i32
      "tpu.region"() ({
        %run_scoped3A = tpu.sem_alloc : memref<!tpu.dma_semaphore, #tpu.memory_space<semaphore_mem>>
        %dma_start3A_97 = arith.constant 0 : i32
        %dma_start3A_98 = tpu.memref_slice %arg7[%add3A_96, %dma_start3A_97] : memref<40x128xi32, #tpu.memory_space<vmem>> -> memref<1x128xi32, #tpu.memory_space<vmem>>
        %dma_start3A_99 = tpu.memref_squeeze %dma_start3A_98 : memref<1x128xi32, #tpu.memory_space<vmem>> -> memref<128xi32, #tpu.memory_space<vmem>>
        %dma_start3A_100 = arith.constant 0 : i32
        %dma_start3A_101 = arith.constant 0 : i32
        %dma_start3A_102 = tpu.memref_slice %arg10[%dma_start3A_100, %dma_start3A_101] : memref<10240x128xf32, #tpu.memory_space<vmem_shared>> -> memref<10240x128xf32, #tpu.memory_space<vmem_shared>>
        tpu.enqueue_indirect_dma source(%arg9 : memref<128x128xf32, #tpu.memory_space<vmem>>) target(%dma_start3A_102 : memref<10240x128xf32, #tpu.memory_space<vmem_shared>>) offsets(%dma_start3A_99 : memref<128xi32, #tpu.memory_space<vmem>>) semaphore(%run_scoped3A : memref<!tpu.dma_semaphore, #tpu.memory_space<semaphore_mem>>) {add = true}
        %dma_wait3A_103 = arith.constant 0 : i32
        %dma_wait3A_104 = tpu.memref_slice %arg7[%add3A_96, %dma_wait3A_103] : memref<40x128xi32, #tpu.memory_space<vmem>> -> memref<1x128xi32, #tpu.memory_space<vmem>>
        %dma_wait3A_105 = tpu.memref_squeeze %dma_wait3A_104 : memref<1x128xi32, #tpu.memory_space<vmem>> -> memref<128xi32, #tpu.memory_space<vmem>>
        %dma_wait3A_106 = arith.constant 0 : i32
        %dma_wait3A_107 = arith.constant 0 : i32
        %dma_wait3A_108 = tpu.memref_slice %arg10[%dma_wait3A_106, %dma_wait3A_107] : memref<10240x128xf32, #tpu.memory_space<vmem_shared>> -> memref<10240x128xf32, #tpu.memory_space<vmem_shared>>
        tpu.wait_indirect_dma semaphore(%run_scoped3A : memref<!tpu.dma_semaphore, #tpu.memory_space<semaphore_mem>>) src(%arg9 : memref<128x128xf32, #tpu.memory_space<vmem>>) dst(%dma_wait3A_108 : memref<10240x128xf32, #tpu.memory_space<vmem_shared>>)
        tpu.yield
      }) : () -> ()
    }
    %scan3A_48 = arith.constant 20 : i32
    %dma_wait3A_49 = arith.constant 0 : i32
    %dma_wait3A_50 = arith.constant 0 : i32
    %dma_wait3A_51 = tpu.memref_slice %arg6[%dma_wait3A_49, %dma_wait3A_50] : memref<40x128xi32, #tpu.memory_space<vmem>> -> memref<1x128xi32, #tpu.memory_space<vmem>>
    %dma_wait3A_52 = tpu.memref_squeeze %dma_wait3A_51 : memref<1x128xi32, #tpu.memory_space<vmem>> -> memref<128xi32, #tpu.memory_space<vmem>>
    %dma_wait3A_53 = arith.constant 0 : i32
    %dma_wait3A_54 = arith.constant 0 : i32
    %dma_wait3A_55 = tpu.memref_slice %arg2[%dma_wait3A_53, %dma_wait3A_54] : memref<20480x128xf32, #tpu.memory_space<hbm>> -> memref<20480x128xf32, #tpu.memory_space<hbm>>
    tpu.wait_indirect_dma semaphore(%arg11 : memref<!tpu.dma_semaphore, #tpu.memory_space<semaphore_mem>>) src(%dma_wait3A_55 : memref<20480x128xf32, #tpu.memory_space<hbm>>) dst(%arg8 : memref<128x128xf32, #tpu.memory_space<vmem>>)
    %barrier3A_56 = arith.constant 0 : index
    tpu.barrier barrier_id(%barrier3A_56)
    %mul3A_57 = arith.constant 640 : i32
    %mul3A_58 = arith.muli %arg1, %mul3A_57 : i32
    %mul3A_59 = arith.constant 640 : i32
    %mul3A_60 = arith.muli %arg1, %mul3A_59 : i32
    "tpu.region"() ({
      %run_scoped3A = tpu.sem_alloc : memref<!tpu.dma_semaphore, #tpu.memory_space<semaphore_mem>>
      %dma_start3A_61 = arith.constant 0 : i32
      %dma_start3A_62 = tpu.memref_slice %arg5[%arg0, %mul3A_60, %dma_start3A_61] : memref<2x10240x128xf32, #tpu.memory_space<hbm>> -> memref<1x640x128xf32, #tpu.memory_space<hbm>>
      %dma_start3A_63 = tpu.memref_squeeze %dma_start3A_62 : memref<1x640x128xf32, #tpu.memory_space<hbm>> -> memref<640x128xf32, #tpu.memory_space<hbm>>
      %dma_start3A_64 = arith.constant 0 : i32
      %dma_start3A_65 = tpu.memref_slice %arg10[%mul3A_58, %dma_start3A_64] : memref<10240x128xf32, #tpu.memory_space<vmem_shared>> -> memref<640x128xf32, #tpu.memory_space<vmem_shared>>
      tpu.enqueue_dma source(%dma_start3A_65 : memref<640x128xf32, #tpu.memory_space<vmem_shared>>) target(%dma_start3A_63 : memref<640x128xf32, #tpu.memory_space<hbm>>) target_semaphore(%run_scoped3A : memref<!tpu.dma_semaphore, #tpu.memory_space<semaphore_mem>>)
      %dma_wait3A_66 = arith.constant 0 : i32
      %dma_wait3A_67 = tpu.memref_slice %arg5[%arg0, %mul3A_60, %dma_wait3A_66] : memref<2x10240x128xf32, #tpu.memory_space<hbm>> -> memref<1x640x128xf32, #tpu.memory_space<hbm>>
      %dma_wait3A_68 = tpu.memref_squeeze %dma_wait3A_67 : memref<1x640x128xf32, #tpu.memory_space<hbm>> -> memref<640x128xf32, #tpu.memory_space<hbm>>
      %dma_wait3A_69 = arith.constant 0 : i32
      %dma_wait3A_70 = tpu.memref_slice %arg10[%mul3A_58, %dma_wait3A_69] : memref<10240x128xf32, #tpu.memory_space<vmem_shared>> -> memref<640x128xf32, #tpu.memory_space<vmem_shared>>
      tpu.wait_dma2 semaphore(%run_scoped3A : memref<!tpu.dma_semaphore, #tpu.memory_space<semaphore_mem>>) src(%dma_wait3A_70 : memref<640x128xf32, #tpu.memory_space<vmem_shared>>) dst(%dma_wait3A_68 : memref<640x128xf32, #tpu.memory_space<hbm>>)
      tpu.yield
    }) : () -> ()
    return
  }
}

#map = affine_map<(d0, d1) -> (0, 0)>
#map1 = affine_map<(d0, d1) -> (0, 0, 0)>
module attributes {stable_mosaic.version = 14 : i64} {
  func.func @body(%arg0: i32, %arg1: i32, %arg2: memref<20480x128xf32, #tpu.memory_space<hbm>>, %arg3: memref<2560x128xi32, #tpu.memory_space<hbm>>, %arg4: memref<1280x128xi32, #tpu.memory_space<hbm>>, %arg5: memref<2x10240x128xf32, #tpu.memory_space<hbm>>, %arg6: memref<40x128xi32, #tpu.memory_space<vmem>>, %arg7: memref<40x128xi32, #tpu.memory_space<vmem>>, %arg8: memref<128x128xf32, #tpu.memory_space<vmem>>, %arg9: memref<128x128xf32, #tpu.memory_space<vmem>>, %arg10: memref<10240x128xf32, #tpu.memory_space<vmem_shared>>, %arg11: memref<!tpu.dma_semaphore, #tpu.memory_space<semaphore_mem>>, %arg12: memref<!tpu.dma_semaphore, #tpu.memory_space<semaphore_mem>>) attributes {dimension_semantics = [#tpu.dimension_semantics<core_parallel>, #tpu.dimension_semantics<subcore_parallel>], iteration_bounds = array<i64: 2, 16>, scalar_prefetch = 0 : i64, scratch_operands = 7 : i64, tpu.core_type = #tpu.core_type<sc_vector_subcore>, window_params = [{transform_indices = #map}, {transform_indices = #map}, {transform_indices = #map}, {transform_indices = #map1}]} {
    %mul3A = arith.constant 10240 : i32
    %mul3A_0 = arith.muli %arg0, %mul3A : i32
    %mul3A_1 = arith.constant 640 : i32
    %mul3A_2 = arith.muli %arg1, %mul3A_1 : i32
    %add3A = arith.addi %mul3A_0, %mul3A_2 : i32
    %mul3A_3 = arith.constant 640 : i32
    %mul3A_4 = arith.muli %arg1, %mul3A_3 : i32
    "tpu.region"() ({
      %run_scoped3A = tpu.sem_alloc : memref<!tpu.dma_semaphore, #tpu.memory_space<semaphore_mem>>
      %dma_start3A_61 = arith.constant 0 : i32
      %dma_start3A_62 = tpu.memref_slice %arg10[%mul3A_4, %dma_start3A_61] : memref<10240x128xf32, #tpu.memory_space<vmem_shared>> -> memref<640x128xf32, #tpu.memory_space<vmem_shared>>
      %dma_start3A_63 = arith.constant 0 : i32
      %dma_start3A_64 = tpu.memref_slice %arg2[%add3A, %dma_start3A_63] : memref<20480x128xf32, #tpu.memory_space<hbm>> -> memref<640x128xf32, #tpu.memory_space<hbm>>
      tpu.enqueue_dma source(%dma_start3A_64 : memref<640x128xf32, #tpu.memory_space<hbm>>) target(%dma_start3A_62 : memref<640x128xf32, #tpu.memory_space<vmem_shared>>) target_semaphore(%run_scoped3A : memref<!tpu.dma_semaphore, #tpu.memory_space<semaphore_mem>>)
      %dma_wait3A_65 = arith.constant 0 : i32
      %dma_wait3A_66 = tpu.memref_slice %arg10[%mul3A_4, %dma_wait3A_65] : memref<10240x128xf32, #tpu.memory_space<vmem_shared>> -> memref<640x128xf32, #tpu.memory_space<vmem_shared>>
      %dma_wait3A_67 = arith.constant 0 : i32
      %dma_wait3A_68 = tpu.memref_slice %arg2[%add3A, %dma_wait3A_67] : memref<20480x128xf32, #tpu.memory_space<hbm>> -> memref<640x128xf32, #tpu.memory_space<hbm>>
      tpu.wait_dma2 semaphore(%run_scoped3A : memref<!tpu.dma_semaphore, #tpu.memory_space<semaphore_mem>>) src(%dma_wait3A_68 : memref<640x128xf32, #tpu.memory_space<hbm>>) dst(%dma_wait3A_66 : memref<640x128xf32, #tpu.memory_space<vmem_shared>>)
      tpu.yield
    }) : () -> ()
    %barrier3A = arith.constant 0 : index
    tpu.barrier barrier_id(%barrier3A)
    %mul3A_5 = arith.constant 80 : i32
    %mul3A_6 = arith.muli %arg1, %mul3A_5 : i32
    %add3A_7 = arith.constant 0 : i32
    %add3A_8 = arith.addi %mul3A_6, %add3A_7 : i32
    %mul3A_9 = arith.constant 1280 : i32
    %mul3A_10 = arith.muli %arg0, %mul3A_9 : i32
    %add3A_11 = arith.addi %mul3A_10, %add3A_8 : i32
    "tpu.region"() ({
      %run_scoped3A = tpu.sem_alloc : memref<!tpu.dma_semaphore, #tpu.memory_space<semaphore_mem>>
      %dma_start3A_61 = arith.constant 0 : i32
      %dma_start3A_62 = tpu.memref_slice %arg3[%add3A_11, %dma_start3A_61] : memref<2560x128xi32, #tpu.memory_space<hbm>> -> memref<40x128xi32, #tpu.memory_space<hbm>>
      %dma_start3A_63 = arith.constant 0 : i32
      %dma_start3A_64 = tpu.memref_slice %arg3[%add3A_11, %dma_start3A_63] : memref<2560x128xi32, #tpu.memory_space<hbm>> -> memref<40x128xi32, #tpu.memory_space<hbm>>
      tpu.enqueue_dma source(%dma_start3A_64 : memref<40x128xi32, #tpu.memory_space<hbm>>) target(%arg6 : memref<40x128xi32, #tpu.memory_space<vmem>>) target_semaphore(%run_scoped3A : memref<!tpu.dma_semaphore, #tpu.memory_space<semaphore_mem>>)
      %dma_wait3A_65 = arith.constant 0 : i32
      %dma_wait3A_66 = tpu.memref_slice %arg3[%add3A_11, %dma_wait3A_65] : memref<2560x128xi32, #tpu.memory_space<hbm>> -> memref<40x128xi32, #tpu.memory_space<hbm>>
      %dma_wait3A_67 = arith.constant 0 : i32
      %dma_wait3A_68 = tpu.memref_slice %arg3[%add3A_11, %dma_wait3A_67] : memref<2560x128xi32, #tpu.memory_space<hbm>> -> memref<40x128xi32, #tpu.memory_space<hbm>>
      tpu.wait_dma2 semaphore(%run_scoped3A : memref<!tpu.dma_semaphore, #tpu.memory_space<semaphore_mem>>) src(%dma_wait3A_68 : memref<40x128xi32, #tpu.memory_space<hbm>>) dst(%arg6 : memref<40x128xi32, #tpu.memory_space<vmem>>)
      tpu.yield
    }) : () -> ()
    "tpu.region"() ({
      %run_scoped3A = tpu.sem_alloc : memref<!tpu.dma_semaphore, #tpu.memory_space<semaphore_mem>>
      %dma_start3A_61 = arith.constant 0 : i32
      %dma_start3A_62 = tpu.memref_slice %arg4[%add3A_8, %dma_start3A_61] : memref<1280x128xi32, #tpu.memory_space<hbm>> -> memref<40x128xi32, #tpu.memory_space<hbm>>
      %dma_start3A_63 = arith.constant 0 : i32
      %dma_start3A_64 = tpu.memref_slice %arg4[%add3A_8, %dma_start3A_63] : memref<1280x128xi32, #tpu.memory_space<hbm>> -> memref<40x128xi32, #tpu.memory_space<hbm>>
      tpu.enqueue_dma source(%dma_start3A_64 : memref<40x128xi32, #tpu.memory_space<hbm>>) target(%arg7 : memref<40x128xi32, #tpu.memory_space<vmem>>) target_semaphore(%run_scoped3A : memref<!tpu.dma_semaphore, #tpu.memory_space<semaphore_mem>>)
      %dma_wait3A_65 = arith.constant 0 : i32
      %dma_wait3A_66 = tpu.memref_slice %arg4[%add3A_8, %dma_wait3A_65] : memref<1280x128xi32, #tpu.memory_space<hbm>> -> memref<40x128xi32, #tpu.memory_space<hbm>>
      %dma_wait3A_67 = arith.constant 0 : i32
      %dma_wait3A_68 = tpu.memref_slice %arg4[%add3A_8, %dma_wait3A_67] : memref<1280x128xi32, #tpu.memory_space<hbm>> -> memref<40x128xi32, #tpu.memory_space<hbm>>
      tpu.wait_dma2 semaphore(%run_scoped3A : memref<!tpu.dma_semaphore, #tpu.memory_space<semaphore_mem>>) src(%dma_wait3A_68 : memref<40x128xi32, #tpu.memory_space<hbm>>) dst(%arg7 : memref<40x128xi32, #tpu.memory_space<vmem>>)
      tpu.yield
    }) : () -> ()
    %dma_start3A = arith.constant 0 : i32
    %dma_start3A_12 = arith.constant 0 : i32
    %dma_start3A_13 = tpu.memref_slice %arg6[%dma_start3A, %dma_start3A_12] : memref<40x128xi32, #tpu.memory_space<vmem>> -> memref<1x128xi32, #tpu.memory_space<vmem>>
    %dma_start3A_14 = tpu.memref_squeeze %dma_start3A_13 : memref<1x128xi32, #tpu.memory_space<vmem>> -> memref<128xi32, #tpu.memory_space<vmem>>
    %dma_start3A_15 = arith.constant 0 : i32
    %dma_start3A_16 = arith.constant 0 : i32
    %dma_start3A_17 = tpu.memref_slice %arg2[%dma_start3A_15, %dma_start3A_16] : memref<20480x128xf32, #tpu.memory_space<hbm>> -> memref<20480x128xf32, #tpu.memory_space<hbm>>
    tpu.enqueue_indirect_dma source(%dma_start3A_17 : memref<20480x128xf32, #tpu.memory_space<hbm>>) target(%arg8 : memref<128x128xf32, #tpu.memory_space<vmem>>) offsets(%dma_start3A_14 : memref<128xi32, #tpu.memory_space<vmem>>) semaphore(%arg11 : memref<!tpu.dma_semaphore, #tpu.memory_space<semaphore_mem>>)
    %scan3A = arith.constant 0 : i32
    %scan3A_18 = arith.constant 0 : i32
    %scan3A_19 = arith.constant 20 : i32
    %scan3A_20 = arith.addi %scan3A_18, %scan3A_19 : i32
    %scan3A_21 = arith.constant 1 : i32
    scf.for %scan3A_61 = %scan3A_18 to %scan3A_20 step %scan3A_21  : i32 {
      %mul3A_62 = arith.constant 2 : i32
      %mul3A_63 = arith.muli %mul3A_62, %scan3A_61 : i32
      %add3A_64 = arith.constant 1 : i32
      %add3A_65 = arith.addi %mul3A_63, %add3A_64 : i32
      %dma_start3A_66 = arith.constant 0 : i32
      %dma_start3A_67 = tpu.memref_slice %arg6[%add3A_65, %dma_start3A_66] : memref<40x128xi32, #tpu.memory_space<vmem>> -> memref<1x128xi32, #tpu.memory_space<vmem>>
      %dma_start3A_68 = tpu.memref_squeeze %dma_start3A_67 : memref<1x128xi32, #tpu.memory_space<vmem>> -> memref<128xi32, #tpu.memory_space<vmem>>
      %dma_start3A_69 = arith.constant 0 : i32
      %dma_start3A_70 = arith.constant 0 : i32
      %dma_start3A_71 = tpu.memref_slice %arg2[%dma_start3A_69, %dma_start3A_70] : memref<20480x128xf32, #tpu.memory_space<hbm>> -> memref<20480x128xf32, #tpu.memory_space<hbm>>
      tpu.enqueue_indirect_dma source(%dma_start3A_71 : memref<20480x128xf32, #tpu.memory_space<hbm>>) target(%arg9 : memref<128x128xf32, #tpu.memory_space<vmem>>) offsets(%dma_start3A_68 : memref<128xi32, #tpu.memory_space<vmem>>) semaphore(%arg12 : memref<!tpu.dma_semaphore, #tpu.memory_space<semaphore_mem>>)
      %dma_wait3A_72 = arith.constant 0 : i32
      %dma_wait3A_73 = arith.constant 0 : i32
      %dma_wait3A_74 = tpu.memref_slice %arg6[%dma_wait3A_72, %dma_wait3A_73] : memref<40x128xi32, #tpu.memory_space<vmem>> -> memref<1x128xi32, #tpu.memory_space<vmem>>
      %dma_wait3A_75 = tpu.memref_squeeze %dma_wait3A_74 : memref<1x128xi32, #tpu.memory_space<vmem>> -> memref<128xi32, #tpu.memory_space<vmem>>
      %dma_wait3A_76 = arith.constant 0 : i32
      %dma_wait3A_77 = arith.constant 0 : i32
      %dma_wait3A_78 = tpu.memref_slice %arg2[%dma_wait3A_76, %dma_wait3A_77] : memref<20480x128xf32, #tpu.memory_space<hbm>> -> memref<20480x128xf32, #tpu.memory_space<hbm>>
      tpu.wait_indirect_dma semaphore(%arg11 : memref<!tpu.dma_semaphore, #tpu.memory_space<semaphore_mem>>) src(%dma_wait3A_78 : memref<20480x128xf32, #tpu.memory_space<hbm>>) dst(%arg8 : memref<128x128xf32, #tpu.memory_space<vmem>>)
      "tpu.region"() ({
        %run_scoped3A = tpu.sem_alloc : memref<!tpu.dma_semaphore, #tpu.memory_space<semaphore_mem>>
        %dma_start3A_97 = arith.constant 0 : i32
        %dma_start3A_98 = tpu.memref_slice %arg7[%mul3A_63, %dma_start3A_97] : memref<40x128xi32, #tpu.memory_space<vmem>> -> memref<1x128xi32, #tpu.memory_space<vmem>>
        %dma_start3A_99 = tpu.memref_squeeze %dma_start3A_98 : memref<1x128xi32, #tpu.memory_space<vmem>> -> memref<128xi32, #tpu.memory_space<vmem>>
        %dma_start3A_100 = arith.constant 0 : i32
        %dma_start3A_101 = arith.constant 0 : i32
        %dma_start3A_102 = tpu.memref_slice %arg10[%dma_start3A_100, %dma_start3A_101] : memref<10240x128xf32, #tpu.memory_space<vmem_shared>> -> memref<10240x128xf32, #tpu.memory_space<vmem_shared>>
        tpu.enqueue_indirect_dma source(%arg8 : memref<128x128xf32, #tpu.memory_space<vmem>>) target(%dma_start3A_102 : memref<10240x128xf32, #tpu.memory_space<vmem_shared>>) offsets(%dma_start3A_99 : memref<128xi32, #tpu.memory_space<vmem>>) semaphore(%run_scoped3A : memref<!tpu.dma_semaphore, #tpu.memory_space<semaphore_mem>>) {add = true}
        %dma_wait3A_103 = arith.constant 0 : i32
        %dma_wait3A_104 = tpu.memref_slice %arg7[%mul3A_63, %dma_wait3A_103] : memref<40x128xi32, #tpu.memory_space<vmem>> -> memref<1x128xi32, #tpu.memory_space<vmem>>
        %dma_wait3A_105 = tpu.memref_squeeze %dma_wait3A_104 : memref<1x128xi32, #tpu.memory_space<vmem>> -> memref<128xi32, #tpu.memory_space<vmem>>
        %dma_wait3A_106 = arith.constant 0 : i32
        %dma_wait3A_107 = arith.constant 0 : i32
        %dma_wait3A_108 = tpu.memref_slice %arg10[%dma_wait3A_106, %dma_wait3A_107] : memref<10240x128xf32, #tpu.memory_space<vmem_shared>> -> memref<10240x128xf32, #tpu.memory_space<vmem_shared>>
        tpu.wait_indirect_dma semaphore(%run_scoped3A : memref<!tpu.dma_semaphore, #tpu.memory_space<semaphore_mem>>) src(%arg8 : memref<128x128xf32, #tpu.memory_space<vmem>>) dst(%dma_wait3A_108 : memref<10240x128xf32, #tpu.memory_space<vmem_shared>>)
        tpu.yield
      }) : () -> ()
      %add3A_79 = arith.constant 2 : i32
      %add3A_80 = arith.addi %mul3A_63, %add3A_79 : i32
      %min3A = arith.constant 39 : i32
      %min3A_81 = arith.minsi %add3A_80, %min3A : i32
      %dma_start3A_82 = arith.constant 0 : i32
      %dma_start3A_83 = tpu.memref_slice %arg6[%min3A_81, %dma_start3A_82] : memref<40x128xi32, #tpu.memory_space<vmem>> -> memref<1x128xi32, #tpu.memory_space<vmem>>
      %dma_start3A_84 = tpu.memref_squeeze %dma_start3A_83 : memref<1x128xi32, #tpu.memory_space<vmem>> -> memref<128xi32, #tpu.memory_space<vmem>>
      %dma_start3A_85 = arith.constant 0 : i32
      %dma_start3A_86 = arith.constant 0 : i32
      %dma_start3A_87 = tpu.memref_slice %arg2[%dma_start3A_85, %dma_start3A_86] : memref<20480x128xf32, #tpu.memory_space<hbm>> -> memref<20480x128xf32, #tpu.memory_space<hbm>>
      tpu.enqueue_indirect_dma source(%dma_start3A_87 : memref<20480x128xf32, #tpu.memory_space<hbm>>) target(%arg8 : memref<128x128xf32, #tpu.memory_space<vmem>>) offsets(%dma_start3A_84 : memref<128xi32, #tpu.memory_space<vmem>>) semaphore(%arg11 : memref<!tpu.dma_semaphore, #tpu.memory_space<semaphore_mem>>)
      %dma_wait3A_88 = arith.constant 0 : i32
      %dma_wait3A_89 = arith.constant 0 : i32
      %dma_wait3A_90 = tpu.memref_slice %arg6[%dma_wait3A_88, %dma_wait3A_89] : memref<40x128xi32, #tpu.memory_space<vmem>> -> memref<1x128xi32, #tpu.memory_space<vmem>>
      %dma_wait3A_91 = tpu.memref_squeeze %dma_wait3A_90 : memref<1x128xi32, #tpu.memory_space<vmem>> -> memref<128xi32, #tpu.memory_space<vmem>>
      %dma_wait3A_92 = arith.constant 0 : i32
      %dma_wait3A_93 = arith.constant 0 : i32
      %dma_wait3A_94 = tpu.memref_slice %arg2[%dma_wait3A_92, %dma_wait3A_93] : memref<20480x128xf32, #tpu.memory_space<hbm>> -> memref<20480x128xf32, #tpu.memory_space<hbm>>
      tpu.wait_indirect_dma semaphore(%arg12 : memref<!tpu.dma_semaphore, #tpu.memory_space<semaphore_mem>>) src(%dma_wait3A_94 : memref<20480x128xf32, #tpu.memory_space<hbm>>) dst(%arg9 : memref<128x128xf32, #tpu.memory_space<vmem>>)
      %add3A_95 = arith.constant 1 : i32
      %add3A_96 = arith.addi %mul3A_63, %add3A_95 : i32
      "tpu.region"() ({
        %run_scoped3A = tpu.sem_alloc : memref<!tpu.dma_semaphore, #tpu.memory_space<semaphore_mem>>
        %dma_start3A_97 = arith.constant 0 : i32
        %dma_start3A_98 = tpu.memref_slice %arg7[%add3A_96, %dma_start3A_97] : memref<40x128xi32, #tpu.memory_space<vmem>> -> memref<1x128xi32, #tpu.memory_space<vmem>>
        %dma_start3A_99 = tpu.memref_squeeze %dma_start3A_98 : memref<1x128xi32, #tpu.memory_space<vmem>> -> memref<128xi32, #tpu.memory_space<vmem>>
        %dma_start3A_100 = arith.constant 0 : i32
        %dma_start3A_101 = arith.constant 0 : i32
        %dma_start3A_102 = tpu.memref_slice %arg10[%dma_start3A_100, %dma_start3A_101] : memref<10240x128xf32, #tpu.memory_space<vmem_shared>> -> memref<10240x128xf32, #tpu.memory_space<vmem_shared>>
        tpu.enqueue_indirect_dma source(%arg9 : memref<128x128xf32, #tpu.memory_space<vmem>>) target(%dma_start3A_102 : memref<10240x128xf32, #tpu.memory_space<vmem_shared>>) offsets(%dma_start3A_99 : memref<128xi32, #tpu.memory_space<vmem>>) semaphore(%run_scoped3A : memref<!tpu.dma_semaphore, #tpu.memory_space<semaphore_mem>>) {add = true}
        %dma_wait3A_103 = arith.constant 0 : i32
        %dma_wait3A_104 = tpu.memref_slice %arg7[%add3A_96, %dma_wait3A_103] : memref<40x128xi32, #tpu.memory_space<vmem>> -> memref<1x128xi32, #tpu.memory_space<vmem>>
        %dma_wait3A_105 = tpu.memref_squeeze %dma_wait3A_104 : memref<1x128xi32, #tpu.memory_space<vmem>> -> memref<128xi32, #tpu.memory_space<vmem>>
        %dma_wait3A_106 = arith.constant 0 : i32
        %dma_wait3A_107 = arith.constant 0 : i32
        %dma_wait3A_108 = tpu.memref_slice %arg10[%dma_wait3A_106, %dma_wait3A_107] : memref<10240x128xf32, #tpu.memory_space<vmem_shared>> -> memref<10240x128xf32, #tpu.memory_space<vmem_shared>>
        tpu.wait_indirect_dma semaphore(%run_scoped3A : memref<!tpu.dma_semaphore, #tpu.memory_space<semaphore_mem>>) src(%arg9 : memref<128x128xf32, #tpu.memory_space<vmem>>) dst(%dma_wait3A_108 : memref<10240x128xf32, #tpu.memory_space<vmem_shared>>)
        tpu.yield
      }) : () -> ()
    }
    %scan3A_22 = arith.constant 20 : i32
    %dma_wait3A = arith.constant 0 : i32
    %dma_wait3A_23 = arith.constant 0 : i32
    %dma_wait3A_24 = tpu.memref_slice %arg6[%dma_wait3A, %dma_wait3A_23] : memref<40x128xi32, #tpu.memory_space<vmem>> -> memref<1x128xi32, #tpu.memory_space<vmem>>
    %dma_wait3A_25 = tpu.memref_squeeze %dma_wait3A_24 : memref<1x128xi32, #tpu.memory_space<vmem>> -> memref<128xi32, #tpu.memory_space<vmem>>
    %dma_wait3A_26 = arith.constant 0 : i32
    %dma_wait3A_27 = arith.constant 0 : i32
    %dma_wait3A_28 = tpu.memref_slice %arg2[%dma_wait3A_26, %dma_wait3A_27] : memref<20480x128xf32, #tpu.memory_space<hbm>> -> memref<20480x128xf32, #tpu.memory_space<hbm>>
    tpu.wait_indirect_dma semaphore(%arg11 : memref<!tpu.dma_semaphore, #tpu.memory_space<semaphore_mem>>) src(%dma_wait3A_28 : memref<20480x128xf32, #tpu.memory_space<hbm>>) dst(%arg8 : memref<128x128xf32, #tpu.memory_space<vmem>>)
    %mul3A_29 = arith.constant 80 : i32
    %mul3A_30 = arith.muli %arg1, %mul3A_29 : i32
    %add3A_31 = arith.constant 40 : i32
    %add3A_32 = arith.addi %mul3A_30, %add3A_31 : i32
    %mul3A_33 = arith.constant 1280 : i32
    %mul3A_34 = arith.muli %arg0, %mul3A_33 : i32
    %add3A_35 = arith.addi %mul3A_34, %add3A_32 : i32
    "tpu.region"() ({
      %run_scoped3A = tpu.sem_alloc : memref<!tpu.dma_semaphore, #tpu.memory_space<semaphore_mem>>
      %dma_start3A_61 = arith.constant 0 : i32
      %dma_start3A_62 = tpu.memref_slice %arg3[%add3A_35, %dma_start3A_61] : memref<2560x128xi32, #tpu.memory_space<hbm>> -> memref<40x128xi32, #tpu.memory_space<hbm>>
      %dma_start3A_63 = arith.constant 0 : i32
      %dma_start3A_64 = tpu.memref_slice %arg3[%add3A_35, %dma_start3A_63] : memref<2560x128xi32, #tpu.memory_space<hbm>> -> memref<40x128xi32, #tpu.memory_space<hbm>>
      tpu.enqueue_dma source(%dma_start3A_64 : memref<40x128xi32, #tpu.memory_space<hbm>>) target(%arg6 : memref<40x128xi32, #tpu.memory_space<vmem>>) target_semaphore(%run_scoped3A : memref<!tpu.dma_semaphore, #tpu.memory_space<semaphore_mem>>)
      %dma_wait3A_65 = arith.constant 0 : i32
      %dma_wait3A_66 = tpu.memref_slice %arg3[%add3A_35, %dma_wait3A_65] : memref<2560x128xi32, #tpu.memory_space<hbm>> -> memref<40x128xi32, #tpu.memory_space<hbm>>
      %dma_wait3A_67 = arith.constant 0 : i32
      %dma_wait3A_68 = tpu.memref_slice %arg3[%add3A_35, %dma_wait3A_67] : memref<2560x128xi32, #tpu.memory_space<hbm>> -> memref<40x128xi32, #tpu.memory_space<hbm>>
      tpu.wait_dma2 semaphore(%run_scoped3A : memref<!tpu.dma_semaphore, #tpu.memory_space<semaphore_mem>>) src(%dma_wait3A_68 : memref<40x128xi32, #tpu.memory_space<hbm>>) dst(%arg6 : memref<40x128xi32, #tpu.memory_space<vmem>>)
      tpu.yield
    }) : () -> ()
    "tpu.region"() ({
      %run_scoped3A = tpu.sem_alloc : memref<!tpu.dma_semaphore, #tpu.memory_space<semaphore_mem>>
      %dma_start3A_61 = arith.constant 0 : i32
      %dma_start3A_62 = tpu.memref_slice %arg4[%add3A_32, %dma_start3A_61] : memref<1280x128xi32, #tpu.memory_space<hbm>> -> memref<40x128xi32, #tpu.memory_space<hbm>>
      %dma_start3A_63 = arith.constant 0 : i32
      %dma_start3A_64 = tpu.memref_slice %arg4[%add3A_32, %dma_start3A_63] : memref<1280x128xi32, #tpu.memory_space<hbm>> -> memref<40x128xi32, #tpu.memory_space<hbm>>
      tpu.enqueue_dma source(%dma_start3A_64 : memref<40x128xi32, #tpu.memory_space<hbm>>) target(%arg7 : memref<40x128xi32, #tpu.memory_space<vmem>>) target_semaphore(%run_scoped3A : memref<!tpu.dma_semaphore, #tpu.memory_space<semaphore_mem>>)
      %dma_wait3A_65 = arith.constant 0 : i32
      %dma_wait3A_66 = tpu.memref_slice %arg4[%add3A_32, %dma_wait3A_65] : memref<1280x128xi32, #tpu.memory_space<hbm>> -> memref<40x128xi32, #tpu.memory_space<hbm>>
      %dma_wait3A_67 = arith.constant 0 : i32
      %dma_wait3A_68 = tpu.memref_slice %arg4[%add3A_32, %dma_wait3A_67] : memref<1280x128xi32, #tpu.memory_space<hbm>> -> memref<40x128xi32, #tpu.memory_space<hbm>>
      tpu.wait_dma2 semaphore(%run_scoped3A : memref<!tpu.dma_semaphore, #tpu.memory_space<semaphore_mem>>) src(%dma_wait3A_68 : memref<40x128xi32, #tpu.memory_space<hbm>>) dst(%arg7 : memref<40x128xi32, #tpu.memory_space<vmem>>)
      tpu.yield
    }) : () -> ()
    %dma_start3A_36 = arith.constant 0 : i32
    %dma_start3A_37 = arith.constant 0 : i32
    %dma_start3A_38 = tpu.memref_slice %arg6[%dma_start3A_36, %dma_start3A_37] : memref<40x128xi32, #tpu.memory_space<vmem>> -> memref<1x128xi32, #tpu.memory_space<vmem>>
    %dma_start3A_39 = tpu.memref_squeeze %dma_start3A_38 : memref<1x128xi32, #tpu.memory_space<vmem>> -> memref<128xi32, #tpu.memory_space<vmem>>
    %dma_start3A_40 = arith.constant 0 : i32
    %dma_start3A_41 = arith.constant 0 : i32
    %dma_start3A_42 = tpu.memref_slice %arg2[%dma_start3A_40, %dma_start3A_41] : memref<20480x128xf32, #tpu.memory_space<hbm>> -> memref<20480x128xf32, #tpu.memory_space<hbm>>
    tpu.enqueue_indirect_dma source(%dma_start3A_42 : memref<20480x128xf32, #tpu.memory_space<hbm>>) target(%arg8 : memref<128x128xf32, #tpu.memory_space<vmem>>) offsets(%dma_start3A_39 : memref<128xi32, #tpu.memory_space<vmem>>) semaphore(%arg11 : memref<!tpu.dma_semaphore, #tpu.memory_space<semaphore_mem>>)
    %scan3A_43 = arith.constant 0 : i32
    %scan3A_44 = arith.constant 0 : i32
    %scan3A_45 = arith.constant 20 : i32
    %scan3A_46 = arith.addi %scan3A_44, %scan3A_45 : i32
    %scan3A_47 = arith.constant 1 : i32
    scf.for %scan3A_61 = %scan3A_44 to %scan3A_46 step %scan3A_47  : i32 {
      %mul3A_62 = arith.constant 2 : i32
      %mul3A_63 = arith.muli %mul3A_62, %scan3A_61 : i32
      %add3A_64 = arith.constant 1 : i32
      %add3A_65 = arith.addi %mul3A_63, %add3A_64 : i32
      %dma_start3A_66 = arith.constant 0 : i32
      %dma_start3A_67 = tpu.memref_slice %arg6[%add3A_65, %dma_start3A_66] : memref<40x128xi32, #tpu.memory_space<vmem>> -> memref<1x128xi32, #tpu.memory_space<vmem>>
      %dma_start3A_68 = tpu.memref_squeeze %dma_start3A_67 : memref<1x128xi32, #tpu.memory_space<vmem>> -> memref<128xi32, #tpu.memory_space<vmem>>
      %dma_start3A_69 = arith.constant 0 : i32
      %dma_start3A_70 = arith.constant 0 : i32
      %dma_start3A_71 = tpu.memref_slice %arg2[%dma_start3A_69, %dma_start3A_70] : memref<20480x128xf32, #tpu.memory_space<hbm>> -> memref<20480x128xf32, #tpu.memory_space<hbm>>
      tpu.enqueue_indirect_dma source(%dma_start3A_71 : memref<20480x128xf32, #tpu.memory_space<hbm>>) target(%arg9 : memref<128x128xf32, #tpu.memory_space<vmem>>) offsets(%dma_start3A_68 : memref<128xi32, #tpu.memory_space<vmem>>) semaphore(%arg12 : memref<!tpu.dma_semaphore, #tpu.memory_space<semaphore_mem>>)
      %dma_wait3A_72 = arith.constant 0 : i32
      %dma_wait3A_73 = arith.constant 0 : i32
      %dma_wait3A_74 = tpu.memref_slice %arg6[%dma_wait3A_72, %dma_wait3A_73] : memref<40x128xi32, #tpu.memory_space<vmem>> -> memref<1x128xi32, #tpu.memory_space<vmem>>
      %dma_wait3A_75 = tpu.memref_squeeze %dma_wait3A_74 : memref<1x128xi32, #tpu.memory_space<vmem>> -> memref<128xi32, #tpu.memory_space<vmem>>
      %dma_wait3A_76 = arith.constant 0 : i32
      %dma_wait3A_77 = arith.constant 0 : i32
      %dma_wait3A_78 = tpu.memref_slice %arg2[%dma_wait3A_76, %dma_wait3A_77] : memref<20480x128xf32, #tpu.memory_space<hbm>> -> memref<20480x128xf32, #tpu.memory_space<hbm>>
      tpu.wait_indirect_dma semaphore(%arg11 : memref<!tpu.dma_semaphore, #tpu.memory_space<semaphore_mem>>) src(%dma_wait3A_78 : memref<20480x128xf32, #tpu.memory_space<hbm>>) dst(%arg8 : memref<128x128xf32, #tpu.memory_space<vmem>>)
      "tpu.region"() ({
        %run_scoped3A = tpu.sem_alloc : memref<!tpu.dma_semaphore, #tpu.memory_space<semaphore_mem>>
        %dma_start3A_97 = arith.constant 0 : i32
        %dma_start3A_98 = tpu.memref_slice %arg7[%mul3A_63, %dma_start3A_97] : memref<40x128xi32, #tpu.memory_space<vmem>> -> memref<1x128xi32, #tpu.memory_space<vmem>>
        %dma_start3A_99 = tpu.memref_squeeze %dma_start3A_98 : memref<1x128xi32, #tpu.memory_space<vmem>> -> memref<128xi32, #tpu.memory_space<vmem>>
        %dma_start3A_100 = arith.constant 0 : i32
        %dma_start3A_101 = arith.constant 0 : i32
        %dma_start3A_102 = tpu.memref_slice %arg10[%dma_start3A_100, %dma_start3A_101] : memref<10240x128xf32, #tpu.memory_space<vmem_shared>> -> memref<10240x128xf32, #tpu.memory_space<vmem_shared>>
        tpu.enqueue_indirect_dma source(%arg8 : memref<128x128xf32, #tpu.memory_space<vmem>>) target(%dma_start3A_102 : memref<10240x128xf32, #tpu.memory_space<vmem_shared>>) offsets(%dma_start3A_99 : memref<128xi32, #tpu.memory_space<vmem>>) semaphore(%run_scoped3A : memref<!tpu.dma_semaphore, #tpu.memory_space<semaphore_mem>>) {add = true}
        %dma_wait3A_103 = arith.constant 0 : i32
        %dma_wait3A_104 = tpu.memref_slice %arg7[%mul3A_63, %dma_wait3A_103] : memref<40x128xi32, #tpu.memory_space<vmem>> -> memref<1x128xi32, #tpu.memory_space<vmem>>
        %dma_wait3A_105 = tpu.memref_squeeze %dma_wait3A_104 : memref<1x128xi32, #tpu.memory_space<vmem>> -> memref<128xi32, #tpu.memory_space<vmem>>
        %dma_wait3A_106 = arith.constant 0 : i32
        %dma_wait3A_107 = arith.constant 0 : i32
        %dma_wait3A_108 = tpu.memref_slice %arg10[%dma_wait3A_106, %dma_wait3A_107] : memref<10240x128xf32, #tpu.memory_space<vmem_shared>> -> memref<10240x128xf32, #tpu.memory_space<vmem_shared>>
        tpu.wait_indirect_dma semaphore(%run_scoped3A : memref<!tpu.dma_semaphore, #tpu.memory_space<semaphore_mem>>) src(%arg8 : memref<128x128xf32, #tpu.memory_space<vmem>>) dst(%dma_wait3A_108 : memref<10240x128xf32, #tpu.memory_space<vmem_shared>>)
        tpu.yield
      }) : () -> ()
      %add3A_79 = arith.constant 2 : i32
      %add3A_80 = arith.addi %mul3A_63, %add3A_79 : i32
      %min3A = arith.constant 39 : i32
      %min3A_81 = arith.minsi %add3A_80, %min3A : i32
      %dma_start3A_82 = arith.constant 0 : i32
      %dma_start3A_83 = tpu.memref_slice %arg6[%min3A_81, %dma_start3A_82] : memref<40x128xi32, #tpu.memory_space<vmem>> -> memref<1x128xi32, #tpu.memory_space<vmem>>
      %dma_start3A_84 = tpu.memref_squeeze %dma_start3A_83 : memref<1x128xi32, #tpu.memory_space<vmem>> -> memref<128xi32, #tpu.memory_space<vmem>>
      %dma_start3A_85 = arith.constant 0 : i32
      %dma_start3A_86 = arith.constant 0 : i32
      %dma_start3A_87 = tpu.memref_slice %arg2[%dma_start3A_85, %dma_start3A_86] : memref<20480x128xf32, #tpu.memory_space<hbm>> -> memref<20480x128xf32, #tpu.memory_space<hbm>>
      tpu.enqueue_indirect_dma source(%dma_start3A_87 : memref<20480x128xf32, #tpu.memory_space<hbm>>) target(%arg8 : memref<128x128xf32, #tpu.memory_space<vmem>>) offsets(%dma_start3A_84 : memref<128xi32, #tpu.memory_space<vmem>>) semaphore(%arg11 : memref<!tpu.dma_semaphore, #tpu.memory_space<semaphore_mem>>)
      %dma_wait3A_88 = arith.constant 0 : i32
      %dma_wait3A_89 = arith.constant 0 : i32
      %dma_wait3A_90 = tpu.memref_slice %arg6[%dma_wait3A_88, %dma_wait3A_89] : memref<40x128xi32, #tpu.memory_space<vmem>> -> memref<1x128xi32, #tpu.memory_space<vmem>>
      %dma_wait3A_91 = tpu.memref_squeeze %dma_wait3A_90 : memref<1x128xi32, #tpu.memory_space<vmem>> -> memref<128xi32, #tpu.memory_space<vmem>>
      %dma_wait3A_92 = arith.constant 0 : i32
      %dma_wait3A_93 = arith.constant 0 : i32
      %dma_wait3A_94 = tpu.memref_slice %arg2[%dma_wait3A_92, %dma_wait3A_93] : memref<20480x128xf32, #tpu.memory_space<hbm>> -> memref<20480x128xf32, #tpu.memory_space<hbm>>
      tpu.wait_indirect_dma semaphore(%arg12 : memref<!tpu.dma_semaphore, #tpu.memory_space<semaphore_mem>>) src(%dma_wait3A_94 : memref<20480x128xf32, #tpu.memory_space<hbm>>) dst(%arg9 : memref<128x128xf32, #tpu.memory_space<vmem>>)
      %add3A_95 = arith.constant 1 : i32
      %add3A_96 = arith.addi %mul3A_63, %add3A_95 : i32
      "tpu.region"() ({
        %run_scoped3A = tpu.sem_alloc : memref<!tpu.dma_semaphore, #tpu.memory_space<semaphore_mem>>
        %dma_start3A_97 = arith.constant 0 : i32
        %dma_start3A_98 = tpu.memref_slice %arg7[%add3A_96, %dma_start3A_97] : memref<40x128xi32, #tpu.memory_space<vmem>> -> memref<1x128xi32, #tpu.memory_space<vmem>>
        %dma_start3A_99 = tpu.memref_squeeze %dma_start3A_98 : memref<1x128xi32, #tpu.memory_space<vmem>> -> memref<128xi32, #tpu.memory_space<vmem>>
        %dma_start3A_100 = arith.constant 0 : i32
        %dma_start3A_101 = arith.constant 0 : i32
        %dma_start3A_102 = tpu.memref_slice %arg10[%dma_start3A_100, %dma_start3A_101] : memref<10240x128xf32, #tpu.memory_space<vmem_shared>> -> memref<10240x128xf32, #tpu.memory_space<vmem_shared>>
        tpu.enqueue_indirect_dma source(%arg9 : memref<128x128xf32, #tpu.memory_space<vmem>>) target(%dma_start3A_102 : memref<10240x128xf32, #tpu.memory_space<vmem_shared>>) offsets(%dma_start3A_99 : memref<128xi32, #tpu.memory_space<vmem>>) semaphore(%run_scoped3A : memref<!tpu.dma_semaphore, #tpu.memory_space<semaphore_mem>>) {add = true}
        %dma_wait3A_103 = arith.constant 0 : i32
        %dma_wait3A_104 = tpu.memref_slice %arg7[%add3A_96, %dma_wait3A_103] : memref<40x128xi32, #tpu.memory_space<vmem>> -> memref<1x128xi32, #tpu.memory_space<vmem>>
        %dma_wait3A_105 = tpu.memref_squeeze %dma_wait3A_104 : memref<1x128xi32, #tpu.memory_space<vmem>> -> memref<128xi32, #tpu.memory_space<vmem>>
        %dma_wait3A_106 = arith.constant 0 : i32
        %dma_wait3A_107 = arith.constant 0 : i32
        %dma_wait3A_108 = tpu.memref_slice %arg10[%dma_wait3A_106, %dma_wait3A_107] : memref<10240x128xf32, #tpu.memory_space<vmem_shared>> -> memref<10240x128xf32, #tpu.memory_space<vmem_shared>>
        tpu.wait_indirect_dma semaphore(%run_scoped3A : memref<!tpu.dma_semaphore, #tpu.memory_space<semaphore_mem>>) src(%arg9 : memref<128x128xf32, #tpu.memory_space<vmem>>) dst(%dma_wait3A_108 : memref<10240x128xf32, #tpu.memory_space<vmem_shared>>)
        tpu.yield
      }) : () -> ()
    }
    %scan3A_48 = arith.constant 20 : i32
    %dma_wait3A_49 = arith.constant 0 : i32
    %dma_wait3A_50 = arith.constant 0 : i32
    %dma_wait3A_51 = tpu.memref_slice %arg6[%dma_wait3A_49, %dma_wait3A_50] : memref<40x128xi32, #tpu.memory_space<vmem>> -> memref<1x128xi32, #tpu.memory_space<vmem>>
    %dma_wait3A_52 = tpu.memref_squeeze %dma_wait3A_51 : memref<1x128xi32, #tpu.memory_space<vmem>> -> memref<128xi32, #tpu.memory_space<vmem>>
    %dma_wait3A_53 = arith.constant 0 : i32
    %dma_wait3A_54 = arith.constant 0 : i32
    %dma_wait3A_55 = tpu.memref_slice %arg2[%dma_wait3A_53, %dma_wait3A_54] : memref<20480x128xf32, #tpu.memory_space<hbm>> -> memref<20480x128xf32, #tpu.memory_space<hbm>>
    tpu.wait_indirect_dma semaphore(%arg11 : memref<!tpu.dma_semaphore, #tpu.memory_space<semaphore_mem>>) src(%dma_wait3A_55 : memref<20480x128xf32, #tpu.memory_space<hbm>>) dst(%arg8 : memref<128x128xf32, #tpu.memory_space<vmem>>)
    %barrier3A_56 = arith.constant 0 : index
    tpu.barrier barrier_id(%barrier3A_56)
    %mul3A_57 = arith.constant 640 : i32
    %mul3A_58 = arith.muli %arg1, %mul3A_57 : i32
    %mul3A_59 = arith.constant 640 : i32
    %mul3A_60 = arith.muli %arg1, %mul3A_59 : i32
    "tpu.region"() ({
      %run_scoped3A = tpu.sem_alloc : memref<!tpu.dma_semaphore, #tpu.memory_space<semaphore_mem>>
      %dma_start3A_61 = arith.constant 0 : i32
      %dma_start3A_62 = tpu.memref_slice %arg5[%arg0, %mul3A_60, %dma_start3A_61] : memref<2x10240x128xf32, #tpu.memory_space<hbm>> -> memref<1x640x128xf32, #tpu.memory_space<hbm>>
      %dma_start3A_63 = tpu.memref_squeeze %dma_start3A_62 : memref<1x640x128xf32, #tpu.memory_space<hbm>> -> memref<640x128xf32, #tpu.memory_space<hbm>>
      %dma_start3A_64 = arith.constant 0 : i32
      %dma_start3A_65 = tpu.memref_slice %arg10[%mul3A_58, %dma_start3A_64] : memref<10240x128xf32, #tpu.memory_space<vmem_shared>> -> memref<640x128xf32, #tpu.memory_space<vmem_shared>>
      tpu.enqueue_dma source(%dma_start3A_65 : memref<640x128xf32, #tpu.memory_space<vmem_shared>>) target(%dma_start3A_63 : memref<640x128xf32, #tpu.memory_space<hbm>>) target_semaphore(%run_scoped3A : memref<!tpu.dma_semaphore, #tpu.memory_space<semaphore_mem>>)
      %dma_wait3A_66 = arith.constant 0 : i32
      %dma_wait3A_67 = tpu.memref_slice %arg5[%arg0, %mul3A_60, %dma_wait3A_66] : memref<2x10240x128xf32, #tpu.memory_space<hbm>> -> memref<1x640x128xf32, #tpu.memory_space<hbm>>
      %dma_wait3A_68 = tpu.memref_squeeze %dma_wait3A_67 : memref<1x640x128xf32, #tpu.memory_space<hbm>> -> memref<640x128xf32, #tpu.memory_space<hbm>>
      %dma_wait3A_69 = arith.constant 0 : i32
      %dma_wait3A_70 = tpu.memref_slice %arg10[%mul3A_58, %dma_wait3A_69] : memref<10240x128xf32, #tpu.memory_space<vmem_shared>> -> memref<640x128xf32, #tpu.memory_space<vmem_shared>>
      tpu.wait_dma2 semaphore(%run_scoped3A : memref<!tpu.dma_semaphore, #tpu.memory_space<semaphore_mem>>) src(%dma_wait3A_70 : memref<640x128xf32, #tpu.memory_space<vmem_shared>>) dst(%dma_wait3A_68 : memref<640x128xf32, #tpu.memory_space<hbm>>)
      tpu.yield
    }) : () -> ()
    return
  }
}

module attributes {stable_mosaic.version = 14 : i64} {
  func.func @_mm_scale_kernel(%arg0: i32, %arg1: memref<1000x256xf32, #tpu.memory_space<vmem>>, %arg2: memref<256x256xf32, #tpu.memory_space<vmem>>, %arg3: memref<2x1000x128xf32, #tpu.memory_space<vmem>>, %arg4: memref<2x1000x128xf32, #tpu.memory_space<vmem>>) attributes {dimension_semantics = [#tpu.dimension_semantics<arbitrary>], iteration_bounds = array<i64: 10>, scalar_prefetch = 0 : i64, scratch_operands = 0 : i64, tpu.core_type = #tpu.core_type<tc>, window_params = [{transform_indices = @transform_0, window_bounds = array<i64: 1000, 256>}, {pipeline_mode = #tpu.pipeline_mode<synchronous>, transform_indices = @transform_1, window_bounds = array<i64: 256, 256>}, {transform_indices = @transform_2, window_bounds = array<i64: 2, 1000, 128>}, {transform_indices = @transform_3, window_bounds = array<i64: 2, 1000, 128>}]} {
    %get3A = arith.constant 0 : index
    %get3A_0 = arith.constant 0 : index
    %get3A_1 = vector.load %arg1[%get3A, %get3A_0] : memref<1000x256xf32, #tpu.memory_space<vmem>>, vector<1000x256xf32>
    %get3A_2 = arith.constant 0 : index
    %get3A_3 = arith.constant 0 : index
    %get3A_4 = vector.load %arg2[%get3A_2, %get3A_3] : memref<256x256xf32, #tpu.memory_space<vmem>>, vector<256x256xf32>
    %dot_general3A = arith.constant dense<0.000000e+00> : vector<1000x256xf32>
    %dot_general3A_5 = tpu.matmul %get3A_1, %get3A_4, %dot_general3A {dimension_numbers = #tpu.dot_dimension_numbers<[1], [0], [0], [1], [0, 0, 1, 1], [], []>, transpose_lhs_hint = false} : vector<1000x256xf32>, vector<256x256xf32>, vector<1000x256xf32> -> vector<1000x256xf32>
    %get3A_6 = arith.constant 0 : index
    %get3A_7 = arith.constant 0 : index
    %get3A_8 = arith.constant 0 : index
    %get3A_9 = vector.load %arg3[%get3A_6, %get3A_7, %get3A_8] : memref<2x1000x128xf32, #tpu.memory_space<vmem>>, vector<1x1000x1xf32>
    %get3A_10 = vector.shape_cast %get3A_9 : vector<1x1000x1xf32> to vector<1000x1xf32>
    %get3A_11 = arith.constant 1 : index
    %get3A_12 = arith.constant 0 : index
    %get3A_13 = arith.constant 0 : index
    %get3A_14 = vector.load %arg3[%get3A_11, %get3A_12, %get3A_13] : memref<2x1000x128xf32, #tpu.memory_space<vmem>>, vector<1x1000x1xf32>
    %get3A_15 = vector.shape_cast %get3A_14 : vector<1x1000x1xf32> to vector<1000x1xf32>
    %add3A = arith.addf %get3A_10, %get3A_15 : vector<1000x1xf32>
    %add3A_16 = arith.constant 1.000000e+00 : f32
    %add3A_17 = vector.broadcast %add3A_16 : f32 to vector<1000x1xf32>
    %add3A_18 = arith.addf %add3A, %add3A_17 : vector<1000x1xf32>
    %rsqrt3A = math.rsqrt %add3A_18 : vector<1000x1xf32>
    %mul3A = vector.broadcast %rsqrt3A : vector<1000x1xf32> to vector<1000x256xf32>
    %mul3A_19 = arith.mulf %dot_general3A_5, %mul3A : vector<1000x256xf32>
    %slice3A = vector.extract_strided_slice %mul3A_19 {offsets = [0, 0], sizes = [1000, 128], strides = [1, 1]} : vector<1000x256xf32> to vector<1000x128xf32>
    %swap3A = arith.constant 0 : index
    %swap3A_20 = arith.constant 0 : index
    %swap3A_21 = arith.constant 0 : index
    %swap3A_22 = vector.load %arg4[%swap3A, %swap3A_20, %swap3A_21] : memref<2x1000x128xf32, #tpu.memory_space<vmem>>, vector<1x1000x128xf32>
    %swap3A_23 = vector.shape_cast %swap3A_22 : vector<1x1000x128xf32> to vector<1000x128xf32>
    %swap3A_24 = vector.shape_cast %slice3A : vector<1000x128xf32> to vector<1x1000x128xf32>
    tpu.vector_store %arg4[%swap3A, %swap3A_20, %swap3A_21], %swap3A_24 {strides = array<i32>} : memref<2x1000x128xf32, #tpu.memory_space<vmem>>, vector<1x1000x128xf32>,
    %slice3A_25 = vector.extract_strided_slice %mul3A_19 {offsets = [0, 128], sizes = [1000, 128], strides = [1, 1]} : vector<1000x256xf32> to vector<1000x128xf32>
    %swap3A_26 = arith.constant 1 : index
    %swap3A_27 = arith.constant 0 : index
    %swap3A_28 = arith.constant 0 : index
    %swap3A_29 = vector.load %arg4[%swap3A_26, %swap3A_27, %swap3A_28] : memref<2x1000x128xf32, #tpu.memory_space<vmem>>, vector<1x1000x128xf32>
    %swap3A_30 = vector.shape_cast %swap3A_29 : vector<1x1000x128xf32> to vector<1000x128xf32>
    %swap3A_31 = vector.shape_cast %slice3A_25 : vector<1000x128xf32> to vector<1x1000x128xf32>
    tpu.vector_store %arg4[%swap3A_26, %swap3A_27, %swap3A_28], %swap3A_31 {strides = array<i32>} : memref<2x1000x128xf32, #tpu.memory_space<vmem>>, vector<1x1000x128xf32>,
    return
  }
  func.func @transform_0(%arg0: i32) -> (i32, i32) {
    %c0_i32 = arith.constant 0 : i32
    %c0_i32_0 = arith.constant 0 : i32
    return %arg0, %c0_i32 : i32, i32
  }
  func.func @transform_1(%arg0: i32) -> (i32, i32) {
    %c0_i32 = arith.constant 0 : i32
    %c0_i32_0 = arith.constant 0 : i32
    %c0_i32_1 = arith.constant 0 : i32
    return %c0_i32, %c0_i32_0 : i32, i32
  }
  func.func @transform_2(%arg0: i32) -> (i32, i32, i32) {
    %c0_i32 = arith.constant 0 : i32
    %c0_i32_0 = arith.constant 0 : i32
    %c0_i32_1 = arith.constant 0 : i32
    return %c0_i32, %arg0, %c0_i32_0 : i32, i32, i32
  }
  func.func @transform_3(%arg0: i32) -> (i32, i32, i32) {
    %c0_i32 = arith.constant 0 : i32
    %c0_i32_0 = arith.constant 0 : i32
    %c0_i32_1 = arith.constant 0 : i32
    return %c0_i32, %arg0, %c0_i32_0 : i32, i32, i32
  }
}

module attributes {stable_mosaic.version = 14 : i64} {
  func.func @_mid_kernel(%arg0: i32, %arg1: memref<2x1000x128xf32, #tpu.memory_space<vmem>>, %arg2: memref<2x1000x128xf32, #tpu.memory_space<vmem>>, %arg3: memref<1x256xf32, #tpu.memory_space<vmem>>, %arg4: memref<256x256xf32, #tpu.memory_space<vmem>>, %arg5: memref<2x1000x128xf32, #tpu.memory_space<vmem>>) attributes {dimension_semantics = [#tpu.dimension_semantics<arbitrary>], iteration_bounds = array<i64: 10>, scalar_prefetch = 0 : i64, scratch_operands = 0 : i64, tpu.core_type = #tpu.core_type<tc>, window_params = [{transform_indices = @transform_0, window_bounds = array<i64: 2, 1000, 128>}, {transform_indices = @transform_1, window_bounds = array<i64: 2, 1000, 128>}, {pipeline_mode = #tpu.pipeline_mode<synchronous>, transform_indices = @transform_2, window_bounds = array<i64: 1, 256>}, {pipeline_mode = #tpu.pipeline_mode<synchronous>, transform_indices = @transform_3, window_bounds = array<i64: 256, 256>}, {transform_indices = @transform_4, window_bounds = array<i64: 2, 1000, 128>}]} {
    %get3A = arith.constant 0 : index
    %get3A_0 = arith.constant 0 : index
    %get3A_1 = arith.constant 0 : index
    %get3A_2 = vector.load %arg2[%get3A, %get3A_0, %get3A_1] : memref<2x1000x128xf32, #tpu.memory_space<vmem>>, vector<1x1000x1xf32>
    %get3A_3 = vector.shape_cast %get3A_2 : vector<1x1000x1xf32> to vector<1000x1xf32>
    %get3A_4 = arith.constant 1 : index
    %get3A_5 = arith.constant 0 : index
    %get3A_6 = arith.constant 0 : index
    %get3A_7 = vector.load %arg2[%get3A_4, %get3A_5, %get3A_6] : memref<2x1000x128xf32, #tpu.memory_space<vmem>>, vector<1x1000x1xf32>
    %get3A_8 = vector.shape_cast %get3A_7 : vector<1x1000x1xf32> to vector<1000x1xf32>
    %add3A = arith.addf %get3A_3, %get3A_8 : vector<1000x1xf32>
    %add3A_9 = arith.constant 1.000000e+00 : f32
    %add3A_10 = vector.broadcast %add3A_9 : f32 to vector<1000x1xf32>
    %add3A_11 = arith.addf %add3A, %add3A_10 : vector<1000x1xf32>
    %rsqrt3A = math.rsqrt %add3A_11 : vector<1000x1xf32>
    %get3A_12 = arith.constant 0 : index
    %get3A_13 = arith.constant 0 : index
    %get3A_14 = arith.constant 0 : index
    %get3A_15 = vector.load %arg1[%get3A_12, %get3A_13, %get3A_14] : memref<2x1000x128xf32, #tpu.memory_space<vmem>>, vector<1x1000x128xf32>
    %get3A_16 = vector.shape_cast %get3A_15 : vector<1x1000x128xf32> to vector<1000x128xf32>
    %get3A_17 = arith.constant 1 : index
    %get3A_18 = arith.constant 0 : index
    %get3A_19 = arith.constant 0 : index
    %get3A_20 = vector.load %arg1[%get3A_17, %get3A_18, %get3A_19] : memref<2x1000x128xf32, #tpu.memory_space<vmem>>, vector<1x1000x128xf32>
    %get3A_21 = vector.shape_cast %get3A_20 : vector<1x1000x128xf32> to vector<1000x128xf32>
    %concatenate3A = tpu.concatenate %get3A_16, %get3A_21 in 1 : vector<1000x128xf32>, vector<1000x128xf32> -> vector<1000x256xf32>
    %mul3A = vector.broadcast %rsqrt3A : vector<1000x1xf32> to vector<1000x256xf32>
    %mul3A_22 = arith.mulf %concatenate3A, %mul3A : vector<1000x256xf32>
    %get3A_23 = arith.constant 0 : index
    %get3A_24 = arith.constant 0 : index
    %get3A_25 = vector.load %arg3[%get3A_23, %get3A_24] : memref<1x256xf32, #tpu.memory_space<vmem>>, vector<1x256xf32>
    %add3A_26 = vector.broadcast %get3A_25 : vector<1x256xf32> to vector<1000x256xf32>
    %add3A_27 = arith.addf %mul3A_22, %add3A_26 : vector<1000x256xf32>
    %max3A = arith.constant 0.000000e+00 : f32
    %max3A_28 = vector.broadcast %max3A : f32 to vector<1000x256xf32>
    %max3A_29 = arith.maximumf %add3A_27, %max3A_28 : vector<1000x256xf32>
    %get3A_30 = arith.constant 0 : index
    %get3A_31 = arith.constant 0 : index
    %get3A_32 = vector.load %arg4[%get3A_30, %get3A_31] : memref<256x256xf32, #tpu.memory_space<vmem>>, vector<256x256xf32>
    %dot_general3A = arith.constant dense<0.000000e+00> : vector<1000x256xf32>
    %dot_general3A_33 = tpu.matmul %max3A_29, %get3A_32, %dot_general3A {dimension_numbers = #tpu.dot_dimension_numbers<[1], [0], [0], [1], [0, 0, 1, 1], [], []>, transpose_lhs_hint = false} : vector<1000x256xf32>, vector<256x256xf32>, vector<1000x256xf32> -> vector<1000x256xf32>
    %mul3A_34 = vector.broadcast %rsqrt3A : vector<1000x1xf32> to vector<1000x256xf32>
    %mul3A_35 = arith.mulf %dot_general3A_33, %mul3A_34 : vector<1000x256xf32>
    %slice3A = vector.extract_strided_slice %mul3A_35 {offsets = [0, 0], sizes = [1000, 128], strides = [1, 1]} : vector<1000x256xf32> to vector<1000x128xf32>
    %swap3A = arith.constant 0 : index
    %swap3A_36 = arith.constant 0 : index
    %swap3A_37 = arith.constant 0 : index
    %swap3A_38 = vector.load %arg5[%swap3A, %swap3A_36, %swap3A_37] : memref<2x1000x128xf32, #tpu.memory_space<vmem>>, vector<1x1000x128xf32>
    %swap3A_39 = vector.shape_cast %swap3A_38 : vector<1x1000x128xf32> to vector<1000x128xf32>
    %swap3A_40 = vector.shape_cast %slice3A : vector<1000x128xf32> to vector<1x1000x128xf32>
    tpu.vector_store %arg5[%swap3A, %swap3A_36, %swap3A_37], %swap3A_40 {strides = array<i32>} : memref<2x1000x128xf32, #tpu.memory_space<vmem>>, vector<1x1000x128xf32>,
    %slice3A_41 = vector.extract_strided_slice %mul3A_35 {offsets = [0, 128], sizes = [1000, 128], strides = [1, 1]} : vector<1000x256xf32> to vector<1000x128xf32>
    %swap3A_42 = arith.constant 1 : index
    %swap3A_43 = arith.constant 0 : index
    %swap3A_44 = arith.constant 0 : index
    %swap3A_45 = vector.load %arg5[%swap3A_42, %swap3A_43, %swap3A_44] : memref<2x1000x128xf32, #tpu.memory_space<vmem>>, vector<1x1000x128xf32>
    %swap3A_46 = vector.shape_cast %swap3A_45 : vector<1x1000x128xf32> to vector<1000x128xf32>
    %swap3A_47 = vector.shape_cast %slice3A_41 : vector<1000x128xf32> to vector<1x1000x128xf32>
    tpu.vector_store %arg5[%swap3A_42, %swap3A_43, %swap3A_44], %swap3A_47 {strides = array<i32>} : memref<2x1000x128xf32, #tpu.memory_space<vmem>>, vector<1x1000x128xf32>,
    return
  }
  func.func @transform_0(%arg0: i32) -> (i32, i32, i32) {
    %c0_i32 = arith.constant 0 : i32
    %c0_i32_0 = arith.constant 0 : i32
    %c0_i32_1 = arith.constant 0 : i32
    return %c0_i32, %arg0, %c0_i32_0 : i32, i32, i32
  }
  func.func @transform_1(%arg0: i32) -> (i32, i32, i32) {
    %c0_i32 = arith.constant 0 : i32
    %c0_i32_0 = arith.constant 0 : i32
    %c0_i32_1 = arith.constant 0 : i32
    return %c0_i32, %arg0, %c0_i32_0 : i32, i32, i32
  }
  func.func @transform_2(%arg0: i32) -> (i32, i32) {
    %c0_i32 = arith.constant 0 : i32
    %c0_i32_0 = arith.constant 0 : i32
    %c0_i32_1 = arith.constant 0 : i32
    return %c0_i32, %c0_i32_0 : i32, i32
  }
  func.func @transform_3(%arg0: i32) -> (i32, i32) {
    %c0_i32 = arith.constant 0 : i32
    %c0_i32_0 = arith.constant 0 : i32
    %c0_i32_1 = arith.constant 0 : i32
    return %c0_i32, %c0_i32_0 : i32, i32
  }
  func.func @transform_4(%arg0: i32) -> (i32, i32, i32) {
    %c0_i32 = arith.constant 0 : i32
    %c0_i32_0 = arith.constant 0 : i32
    %c0_i32_1 = arith.constant 0 : i32
    return %c0_i32, %arg0, %c0_i32_0 : i32, i32, i32
  }
}

module attributes {stable_mosaic.version = 14 : i64} {
  func.func @_final_kernel(%arg0: i32, %arg1: memref<2x1000x128xf32, #tpu.memory_space<vmem>>, %arg2: memref<2x1000x128xf32, #tpu.memory_space<vmem>>, %arg3: memref<1x128xf32, #tpu.memory_space<vmem>>, %arg4: memref<1x128xf32, #tpu.memory_space<vmem>>, %arg5: memref<1000x128xf32, #tpu.memory_space<vmem>>, %arg6: memref<1000x128xf32, #tpu.memory_space<vmem>>) attributes {dimension_semantics = [#tpu.dimension_semantics<arbitrary>], iteration_bounds = array<i64: 10>, scalar_prefetch = 0 : i64, scratch_operands = 0 : i64, tpu.core_type = #tpu.core_type<tc>, window_params = [{transform_indices = @transform_0, window_bounds = array<i64: 2, 1000, 128>}, {transform_indices = @transform_1, window_bounds = array<i64: 2, 1000, 128>}, {pipeline_mode = #tpu.pipeline_mode<synchronous>, transform_indices = @transform_2, window_bounds = array<i64: 1, 128>}, {pipeline_mode = #tpu.pipeline_mode<synchronous>, transform_indices = @transform_3, window_bounds = array<i64: 1, 128>}, {transform_indices = @transform_4, window_bounds = array<i64: 1000, 128>}, {transform_indices = @transform_5, window_bounds = array<i64: 1000, 128>}]} {
    %get3A = arith.constant 0 : index
    %get3A_0 = arith.constant 0 : index
    %get3A_1 = arith.constant 0 : index
    %get3A_2 = vector.load %arg2[%get3A, %get3A_0, %get3A_1] : memref<2x1000x128xf32, #tpu.memory_space<vmem>>, vector<1x1000x1xf32>
    %get3A_3 = vector.shape_cast %get3A_2 : vector<1x1000x1xf32> to vector<1000x1xf32>
    %get3A_4 = arith.constant 1 : index
    %get3A_5 = arith.constant 0 : index
    %get3A_6 = arith.constant 0 : index
    %get3A_7 = vector.load %arg2[%get3A_4, %get3A_5, %get3A_6] : memref<2x1000x128xf32, #tpu.memory_space<vmem>>, vector<1x1000x1xf32>
    %get3A_8 = vector.shape_cast %get3A_7 : vector<1x1000x1xf32> to vector<1000x1xf32>
    %add3A = arith.addf %get3A_3, %get3A_8 : vector<1000x1xf32>
    %add3A_9 = arith.constant 1.000000e+00 : f32
    %add3A_10 = vector.broadcast %add3A_9 : f32 to vector<1000x1xf32>
    %add3A_11 = arith.addf %add3A, %add3A_10 : vector<1000x1xf32>
    %rsqrt3A = math.rsqrt %add3A_11 : vector<1000x1xf32>
    %get3A_12 = arith.constant 0 : index
    %get3A_13 = arith.constant 0 : index
    %get3A_14 = arith.constant 0 : index
    %get3A_15 = vector.load %arg1[%get3A_12, %get3A_13, %get3A_14] : memref<2x1000x128xf32, #tpu.memory_space<vmem>>, vector<1x1000x128xf32>
    %get3A_16 = vector.shape_cast %get3A_15 : vector<1x1000x128xf32> to vector<1000x128xf32>
    %mul3A = vector.broadcast %rsqrt3A : vector<1000x1xf32> to vector<1000x128xf32>
    %mul3A_17 = arith.mulf %get3A_16, %mul3A : vector<1000x128xf32>
    %get3A_18 = arith.constant 0 : index
    %get3A_19 = arith.constant 0 : index
    %get3A_20 = vector.load %arg3[%get3A_18, %get3A_19] : memref<1x128xf32, #tpu.memory_space<vmem>>, vector<1x128xf32>
    %add3A_21 = vector.broadcast %get3A_20 : vector<1x128xf32> to vector<1000x128xf32>
    %add3A_22 = arith.addf %mul3A_17, %add3A_21 : vector<1000x128xf32>
    %swap3A = arith.constant 0 : index
    %swap3A_23 = arith.constant 0 : index
    %swap3A_24 = vector.load %arg5[%swap3A, %swap3A_23] : memref<1000x128xf32, #tpu.memory_space<vmem>>, vector<1000x128xf32>
    tpu.vector_store %arg5[%swap3A, %swap3A_23], %add3A_22 {strides = array<i32>} : memref<1000x128xf32, #tpu.memory_space<vmem>>, vector<1000x128xf32>,
    %get3A_25 = arith.constant 1 : index
    %get3A_26 = arith.constant 0 : index
    %get3A_27 = arith.constant 0 : index
    %get3A_28 = vector.load %arg1[%get3A_25, %get3A_26, %get3A_27] : memref<2x1000x128xf32, #tpu.memory_space<vmem>>, vector<1x1000x128xf32>
    %get3A_29 = vector.shape_cast %get3A_28 : vector<1x1000x128xf32> to vector<1000x128xf32>
    %mul3A_30 = vector.broadcast %rsqrt3A : vector<1000x1xf32> to vector<1000x128xf32>
    %mul3A_31 = arith.mulf %get3A_29, %mul3A_30 : vector<1000x128xf32>
    %get3A_32 = arith.constant 0 : index
    %get3A_33 = arith.constant 0 : index
    %get3A_34 = vector.load %arg4[%get3A_32, %get3A_33] : memref<1x128xf32, #tpu.memory_space<vmem>>, vector<1x128xf32>
    %add3A_35 = vector.broadcast %get3A_34 : vector<1x128xf32> to vector<1000x128xf32>
    %add3A_36 = arith.addf %mul3A_31, %add3A_35 : vector<1000x128xf32>
    %swap3A_37 = arith.constant 0 : index
    %swap3A_38 = arith.constant 0 : index
    %swap3A_39 = vector.load %arg6[%swap3A_37, %swap3A_38] : memref<1000x128xf32, #tpu.memory_space<vmem>>, vector<1000x128xf32>
    tpu.vector_store %arg6[%swap3A_37, %swap3A_38], %add3A_36 {strides = array<i32>} : memref<1000x128xf32, #tpu.memory_space<vmem>>, vector<1000x128xf32>,
    return
  }
  func.func @transform_0(%arg0: i32) -> (i32, i32, i32) {
    %c0_i32 = arith.constant 0 : i32
    %c0_i32_0 = arith.constant 0 : i32
    %c0_i32_1 = arith.constant 0 : i32
    return %c0_i32, %arg0, %c0_i32_0 : i32, i32, i32
  }
  func.func @transform_1(%arg0: i32) -> (i32, i32, i32) {
    %c0_i32 = arith.constant 0 : i32
    %c0_i32_0 = arith.constant 0 : i32
    %c0_i32_1 = arith.constant 0 : i32
    return %c0_i32, %arg0, %c0_i32_0 : i32, i32, i32
  }
  func.func @transform_2(%arg0: i32) -> (i32, i32) {
    %c0_i32 = arith.constant 0 : i32
    %c0_i32_0 = arith.constant 0 : i32
    %c0_i32_1 = arith.constant 0 : i32
    return %c0_i32, %c0_i32_0 : i32, i32
  }
  func.func @transform_3(%arg0: i32) -> (i32, i32) {
    %c0_i32 = arith.constant 0 : i32
    %c0_i32_0 = arith.constant 0 : i32
    %c0_i32_1 = arith.constant 0 : i32
    return %c0_i32, %c0_i32_0 : i32, i32
  }
  func.func @transform_4(%arg0: i32) -> (i32, i32) {
    %c0_i32 = arith.constant 0 : i32
    %c0_i32_0 = arith.constant 0 : i32
    return %arg0, %c0_i32 : i32, i32
  }
  func.func @transform_5(%arg0: i32) -> (i32, i32) {
    %c0_i32 = arith.constant 0 : i32
    %c0_i32_0 = arith.constant 0 : i32
    return %arg0, %c0_i32 : i32, i32
  }
}

</mosaic_0001>

<sc_bundles>
// kernel: kernel.11.cloned.1.call-start
scs
__scs_entry_jumppad:
0x0: {  	(pc) =	sbr.rel $0x88, $3  }
0x1: {  	(tag) =	ssettag $0x0;
	lr =	simm.s32 $0x1  }
0x2: {  	[smem:$0x3F99] =	sst lr;
	_ =	strace $0xD0000000  }
0x3: {  	_ = 	snop  }
0x4: {  	_ = 	snop  }
0x5: {  	_ = 	snop  }
0x6: {  	_ = 	snop  }
0x7: {  	_ = 	snop  }
__scs_overlays_trampoline_lowered:
0x8: {  	[smem:$0x3FA8] =	sst s0  }
0x9: {  	[smem:$0x3FA9] =	sst s1  }
0xa: {  	[smem:$0x3FAA] =	sst s2  }
0xb: {  	[smem:$0x3FAB] =	sst s3  }
0xc: {  	[smem:$0x3FAC] =	sst s4  }
0xd: {  	[smem:$0x3FAD] =	sst s5  }
0xe: {  	[smem:$0x3FAE] =	sst s6  }
0xf: {  	[smem:$0x3FAF] =	sst s7  }
0x10: {  	[smem:$0x3FB0] =	sst s8  }
0x11: {  	[smem:$0x3FB1] =	sst s9;
	s0 =	simm.s32 @!p0 $0x0  }
0x12: {  	s1 =	sld [smem:$0x3F97];
	s0 =	simm.s32 @p0 $0x1  }
0x13: {  	[smem:$0x3FB2] =	sst s0;
	s0 =	simm.s32 @!p1 $0x0  }
0x14: {  	s2 =	sld [smem:$0x3F96];
	s0 =	simm.s32 @p1 $0x1  }
0x15: {  	[smem:$0x3FB3] =	sst s0;
	s0 =	simm.s32 @!p2 $0x0  }
0x16: {  	s3 =	sld [smem:$0x3FDB];
	s0 =	simm.s32 @p2 $0x1  }
0x17: {  	s4 =	simm.s32 $0x1BF5;
	[smem:$0x3FB5] =	sst s0  }
0x18: {  	s0 =	sld [smem:$0x3F98];
	_ =	swait.ge [sflag:s4], $0x0  }
0x19: {  	s7 =	sld [smem:$0x3F99]  }
0x1a: {  	s8 =	sadd.s32 $0xFFFFE003, lr  }
0x1b: {  	s9 =	sadd.s32 $0xFFFFFEF7, lr;
	s5 =	simm.s32 $0xFFFFFFFF;
	p2 =	slt.u32 s8, $0xFFFFF086  }
0x1c: {  	p1 =	slt.u32 s9, $0xF7A;
	s5 =	simm.s32 @!p2 $0x0  }
0x1d: {  	s5 =	simm.s32 @p1 $0x1;
	p0 =	seq.s32 s7, s2  }
0x1e: {  	s7 =	smul.u32 @!p0 $0xF7A, s2;
	p2 =	seq.s32 @!p0 s5, $0x0  }
0x1f: {  	s9 =	smul.u32 $0xF7A, s1;
	s8 =	simm.s32 @!p0 $0x1BF5;
	p2 =	por !p2, p0  }
0x20: {  	[sflag:s8] =	ssyncset.s32 @!p0 $0xFFFFF086;
	s6 =	sadd.s32 @!p0 s3, s7;
	s7 =	simm.s32 @!p0 $0x108  }
0x21: {  	s3 =	sadd.s32 s3, s9;
	s6 =	sadd.s32 @!p0 $0x88, s6;
	s7 =	simm.s32 @p2 $0x1082  }
0x22: {  	[simem:s7], [sflag:s8] =	dma.local @!p0 [hbm:s6], $0xF7A  }
0x23: {  	s9 =	sor.u32 $0xD0000000, s2;
	s6 =	simm.s32 $0x108;
	_ =	swait.ge @!p0 [sflag:s8], $0x0  }
0x24: {  	s3 =	sadd.s32 $0x88, s3;
	s6 =	simm.s32 @!p1 $0x1082;
	[sflag:s4] =	ssyncset.s32 $0xFFFFF086  }
0x25: {  	[simem:s6], [sflag:s4] =	dma.local [hbm:s3], $0xF7A  }
0x26: {  	[smem:$0x3F99] =	sst s1;
	(tag) =	ssettag s2;
	_ =	strace s9  }
0x27: {  	s1 =	sld [smem:$0x3FA9]  }
0x28: {  	s2 =	sld [smem:$0x3FAA]  }
0x29: {  	s4 =	sld [smem:$0x3FAC]  }
0x2a: {  	p0 =	seq.s32 s5, $0x0;
	s5 =	sld [smem:$0x3FAD]  }
0x2b: {  	s6 =	sld [smem:$0x3FAE]  }
0x2c: {  	s7 =	sld [smem:$0x3FAF]  }
0x2d: {  	s3 =	simm.s32 $0x108;
	s8 =	sld [smem:$0x3FB0]  }
0x2e: {  	s3 =	simm.s32 @!p0 $0x1082;
	s9 =	sld [smem:$0x3FB1]  }
0x2f: {  	lr =	sadd.s32 s0, s3;
	s0 =	sld [smem:$0x3FA8]  }
0x30: {  	s3 =	sld [smem:$0x3FAB]  }
0x31: {  	[smem:$0x3FB4] =	sst s10  }
0x32: {  	s10 =	sld [smem:$0x3FB2];
	_ =	sdelay $0x3  }
0x33: {  	p0 =	seq.s32 s10, $0x1;
	s10 =	sld [smem:$0x3FB4];
	_ =	sdelay $0x3  }
0x34: {  	[smem:$0x3FB4] =	sst s10  }
0x35: {  	s10 =	sld [smem:$0x3FB3];
	_ =	sdelay $0x3  }
0x36: {  	p1 =	seq.s32 s10, $0x1;
	s10 =	sld [smem:$0x3FB4];
	_ =	sdelay $0x3  }
0x37: {  	[smem:$0x3FB4] =	sst s10  }
0x38: {  	s10 =	sld [smem:$0x3FB5]  }
0x39: {  	_ = 	snop;
	(pc) =	sbr.ind lr, $3  }
0x3a: {  	_ = 	snop  }
0x3b: {  	_ = 	snop  }
0x3c: {  	p2 =	seq.s32 s10, $0x1;
	s10 =	sld [smem:$0x3FB4]  }
0x3d: {  	_ =	shalt  }
0x3e: {  	_ =	shalt  }
0x3f: {  	_ =	shalt  }
0x40: {  	_ =	shalt  }
0x41: {  	_ =	shalt  }
0x42: {  	_ =	shalt  }
0x43: {  	_ =	shalt  }
0x44: {  	_ =	shalt  }
0x45: {  	_ =	shalt  }
0x46: {  	_ =	shalt  }
0x47: {  	_ =	shalt  }
0x48: {  	_ =	shalt  }
0x49: {  	_ =	shalt  }
0x4a: {  	_ =	shalt  }
0x4b: {  	_ =	shalt  }
0x4c: {  	_ =	shalt  }
0x4d: {  	_ =	shalt  }
0x4e: {  	_ =	shalt  }
0x4f: {  	_ =	shalt  }
0x50: {  	_ =	shalt  }
0x51: {  	_ =	shalt  }
0x52: {  	_ =	shalt  }
0x53: {  	_ =	shalt  }
0x54: {  	_ =	shalt  }
0x55: {  	_ =	shalt  }
0x56: {  	_ =	shalt  }
0x57: {  	_ =	shalt  }
0x58: {  	_ =	shalt  }
0x59: {  	_ =	shalt  }
0x5a: {  	_ =	shalt  }
0x5b: {  	_ =	shalt  }
0x5c: {  	_ =	shalt  }
0x5d: {  	_ =	shalt  }
0x5e: {  	_ =	shalt  }
0x5f: {  	_ =	shalt  }
0x60: {  	_ =	shalt  }
0x61: {  	_ =	shalt  }
0x62: {  	_ =	shalt  }
0x63: {  	_ =	shalt  }
0x64: {  	_ =	shalt  }
0x65: {  	_ =	shalt  }
0x66: {  	_ =	shalt  }
0x67: {  	_ =	shalt  }
0x68: {  	_ =	shalt  }
0x69: {  	_ =	shalt  }
0x6a: {  	_ =	shalt  }
0x6b: {  	_ =	shalt  }
0x6c: {  	_ =	shalt  }
0x6d: {  	_ =	shalt  }
0x6e: {  	_ =	shalt  }
0x6f: {  	_ =	shalt  }
0x70: {  	_ =	shalt  }
0x71: {  	_ =	shalt  }
0x72: {  	_ =	shalt  }
0x73: {  	_ =	shalt  }
0x74: {  	_ =	shalt  }
0x75: {  	_ =	shalt  }
0x76: {  	_ =	shalt  }
0x77: {  	_ =	shalt  }
0x78: {  	_ =	shalt  }
0x79: {  	_ =	shalt  }
0x7a: {  	_ =	shalt  }
0x7b: {  	_ =	shalt  }
0x7c: {  	_ =	shalt  }
0x7d: {  	_ =	shalt  }
0x7e: {  	_ =	shalt  }
0x7f: {  	_ =	shalt  }
0x80: {  	_ =	shalt  }
0x81: {  	_ =	shalt  }
0x82: {  	_ =	shalt  }
0x83: {  	_ =	shalt  }
0x84: {  	_ =	shalt  }
0x85: {  	_ =	shalt  }
0x86: {  	_ =	shalt  }
0x87: {  	_ =	shalt  }
.Lfunc_end0:
.L_simem_size_0:
called_computation.1_lowered:
.L_overlay_start_0:
0x88: {  	s2 =	sld [smem:$0x3FD9]  }
0x89: {  	s3 =	sld [smem:$0x3FFE];
	_ =	sdelay $0x1  }
0x8a: {  	s1 =	srdreg.scid  }
0x8b: {  	s0 =	sand.u32 $0x1, s1  }
0x8c: {  	s14 =	sshll.u32 s0, $0xA;
	s2 =	sadd.s32 s3, s2  }
0x8d: {  	s2 =	sadd.s32 s2, s14  }
0x8e: {  	[smem:$0x3FC0] =	sst s2  }
0x8f: {  	_ = 	snop  }
0x90: {  	s2 =	sld [smem:$0x3FD0];
	_ =	sdelay $0x2  }
0x91: {  	s15 =	simm.s32 $0xA;
	s4 =	simm.s32 $0x10  }
0x92: {  	[smem:s4], [sflag:s15] =	dma.local [hbm:s2], $0x1  }
0x93: {  	_ =	swait.eq [sflag:s15], $0x1  }
0x94: {  	[sflag:s15] =	ssyncset.done $0x0  }
0x95: {  	s16 =	sld [smem:$0x10];
	[sflag:s15] =	ssyncadd.s32 $0xFFFFFFFF  }
0x96: {  	s17 =	sld [smem:$0x11];
	(tm) =	ssettm $0x1  }
0x97: {  	s18 =	sld [smem:$0x3FFB];
	_ =	sdelay $0x3  }
0x98: {  	_ =	strace s18  }
0x99: {  	s4 =	sld [smem:$0x3FFC];
	_ =	sdelay $0x3  }
0x9a: {  	_ =	strace s4  }
0x9b: {  	s4 =	sld [smem:$0x3FFD];
	_ =	sdelay $0x3  }
0x9c: {  	_ =	strace s4  }
0x9d: {  	_ =	strace $0x8FFFFFFF  }
0x9e: {  	s19 =	sld [smem:$0x3FDB];
	_ =	sdelay $0x1  }
0x9f: {  	s5 =	simm.s32 $_scs_section_size  }
0xa0: {  	s6 =	simm.s32 $_size__tile_overlayer_lowered;
	s7 =	simm.s32 $_tile_overlayer_lowered  }
0xa1: {  	s22 =	simm.s32 $0x1BFF;
	s21 =	sshll.u32 s7, $0x1;
	s4 =	sadd.s32 s5, s19  }
0xa2: {  	s8 =	simm.s32 $0x0;
	s20 =	sshll.u32 s6, $0x1;
	s6 =	sadd.s32 s21, s4  }
0xa3: {  	[timem:s8], [sflag:s22] =	dma.local [hbm:s6], s20  }
0xa4: {  	_ =	swait.ge [sflag:s22], s20  }
0xa5: {  	s5 =	ssub.s32 $0x0, s20;
	[sflag:s22] =	ssyncset.done $0x0  }
0xa6: {  	[sflag:s22] =	ssyncadd.s32 s5;
	_ =	sdelay $0x1  }
0xa7: {  	s23 =	simm.s32 $0x1B8B  }
0xa8: {  	_ =	swait.ge [sflag:s23], $0x1  }
0xa9: {  	[sflag:s23] =	ssyncset.done $0x0  }
0xaa: {  	s25 =	simm.s32 $0x1B8E;
	s24 =	sld [smem:$0x3FFE];
	[sflag:s23] =	ssyncadd.s32 $0xFFFFFFFF  }
0xab: {  	s26 =	simm.s32 $execute0_lowered;
	[smem:$0x3FD2] =	sst s25  }
0xac: {  	s6 =	sshll.u32 s26, $0x1;
	_ =	strace $0x80000049;
	[dreg:$0x1] =	wrdreg $0xFFFFFFFF  }
0xad: {  	s28 =	simm.s32 $_size_execute0_lowered;
	s4 =	sadd.s32 s4, s6;
	[dreg:$0x0] =	wrdreg $0x0  }
0xae: {  	s6 =	sshll.u32 s28, $0x1;
	[dreg:$0x2] =	wrdreg s4  }
0xaf: {  	[dreg:$0x3] =	wrdreg s6  }
0xb0: {  	[dreg:$0x4] =	wrdreg $0xC0  }
0xb1: {  	_ =	task [dreg:s8], $0x5FFFF  }
0xb2: {  	[dreg:$0x1] =	wrdreg $0xFFFFFFFF  }
0xb3: {  	[dreg:$0x0] =	wrdreg $0x60  }
0xb4: {  	[dreg:$0x2] =	wrdreg s24  }
0xb5: {  	[dreg:$0x3] =	wrdreg s17  }
0xb6: {  	[dreg:$0x4] =	wrdreg s16  }
0xb7: {  	[dreg:$0x5] =	wrdreg $0xA8000  }
0xb8: {  	[dreg:$0x6] =	wrdreg $0x9  }
0xb9: {  	_ =	task.clear_ibuf [dreg:s8], $0x7FFFF;
	_ =	strace $0x90000049  }
0xba: {  	s29 =	simm.s32 $0x9;
	_ =	strace $0x8000004B  }
0xbb: {  	_ =	swait.ge [sflag:s29], $0x1  }
0xbc: {  	[sflag:s29] =	ssyncadd.s32 $0xFFFFFFFF  }
0xbd: {  	_ =	strace $0x9000004B  }
0xbe: {  	_ =	sfence  }
0xbf: {  	s30 =	sld [smem:$0x0];
	_ =	sdelay $0x2  }
0xc0: {  	s31 =	sshll.u32 s1, $0xD;
	s1 =	sshrl.u32 s1, $0x2  }
0xc1: {  	s3 =	sand.u32 $0x4000, s31;
	s1 =	sadd.s32 s1, s30  }
0xc2: {  	s0 =	sor.u32 s3, s0;
	s1 =	sshll.u32 s1, $0x11  }
0xc3: {  	s0 =	sor.u32 s1, s0  }
0xc4: {  	s0 =	sadd.s32 $0x8F2B, s0  }
0xc5: {  	[sflag:s0] =	ssyncadd.remote.s32 $0x1  }
0xc6: {  	_ =	sfence.sel $0xFFFF  }
0xc7: {  	[dreg:$0x0] =	wrdreg $0xFFFFFFFF;
	(pc) =	sbr.abs _section_cstart, $3  }
0xc8: {  	[dreg:$0x1] =	wrdreg $0xFFFFFFFF  }
0xc9: {  	_ =	task.clear_ibuf [dreg:s8], $0x2FFFF;
	_ =	strace $0x9FFFFFFF  }
0xca: {  	(tm) =	ssettm $0x7FFFFFFF  }
0xcb: {  	_ =	shalt  }
tec
execute0_lowered:
.L_overlay_start_1:
0x0: {  	(tag) =	ssettag $0x1  }
0x1: {  	s5 =	rddreg [dreg:$0x0]  }
0x2: {  	s9 =	rddreg [dreg:$0x1]  }
0x3: {  	s10 =	rddreg [dreg:$0x2];
	s2 =	srdreg.scid  }
0x4: {  	s1 =	rddreg [dreg:$0x3];
	s6 =	sand.u32 $0x1, s2  }
0x5: {  	s2 =	stileid.u32;
	s7 =	smul.u32 $0x140000, s6  }
0x6: {  	s0 =	rddreg [dreg:$0x4];
	s3 =	simm.s32 $0x0;
	s8 =	smul.u32 $0x14000, s2  }
0x7: {  	s17 =	simm.s32 $0x2800;
	s18 =	simm.s32 $0x6800;
	s11 =	smul.u32 $0x50000, s2  }
0x8: {  	s19 =	simm.s32 $0x1;
	s20 =	simm.s32 $0x2;
	s22 =	smul.u32 $0x28000, s6  }
0x9: {  	s21 =	simm.s32 $0x1380;
	[smem:$0x7FF] =	sst s3;
	s13 =	smul.u32 $0x2800, s2  }
0xa: {  	s4 =	sadd.s32 $0x7B800, s5;
	_ =	strace $0x8000004A;
	s24 =	smul.u32 $0x50, s2  }
0xb: {  	s12 =	ssub.s32 $0x2, s6;
	s6 =	smul.u32 $0x500, s6;
	s26 =	sshll.u32 s2, $0x6  }
0xc: {  	s30 =	smul.u32 $0x500, s2;
	s23 =	sshrl.u32 s12, $0x1;
	s7 =	sadd.s32 s8, s7  }
0xd: {  	s11 =	sshrl.u32 s11, $0x2;
	s8 =	sadd.s32 s13, s22;
	s12 =	ssub.s32 s12, s23  }
0xe: {  	s28 =	sadd.s32 s24, s6;
	s15 =	sadd.s32 $0x28, s24;
	s22 =	simm.s32 $0x2700  }
0xf: {  	s23 =	simm.s32 $0x2780;
	s24 =	simm.s32 $0x0;
	s7 =	sshrl.u32 s7, $0x3  }
0x10: {  	s25 =	sadd.s32 s11, s1;
	s29 =	sshll.u32 s28, $0x4;
	s16 =	sadd.s32 s6, s15  }
0x11: {  	s6 =	sor.u32 $0x1C03, s26;
	s31 =	sshll.u32 s15, $0x4;
	s12 =	smax.u32 s12, $0x1  }
0x12: {  	s15 =	simm.s32 $0x1400;
	s14 =	sadd.s32 s7, s5;
	s5 =	sadd.s32 s4, s8  }
0x13: {  	s7 =	sadd.s32 s9, s29;
	s16 =	sshll.u32 s16, $0x4;
	s8 =	sadd.s32 s10, s30  }
0x14: {  	s10 =	sadd.s32 s10, s31;
	s13 =	sshrl.u32 s25, $0x3;
	s9 =	sadd.s32 s9, s16  }
0x15: {  	s11 =	sadd.s32 $0xCB800, s14;
	s14 =	simm.s32 $0x3;
	s16 =	simm.s32 $0x80  }
.LBB2_1:
0x16: {  	[spmem:s13], [sflag:s6] =	dma.local [hbm:s5], $0x2800  }
0x17: {  	_ =	swait.ge [sflag:s14], $0x2800  }
0x18: {  	[sflag:s14] =	ssyncset.done $0x0  }
0x19: {  	[sflag:s14] =	ssyncadd.s32 $0xFFFFD800  }
0x1a: {  	[bflag:$0x0] =	sbarrier.arrive $0xFFFF  }
0x1b: {  	[tilespmem:s3], [sflag:$0x3] =	stream.linear.gather [hbm4b:s7+s3], $0x1400, $0x38;
	[tilespmem:$0x1E800] =	vst v63  }
0x1c: {  	_ =	swait.ge [sflag:s14], $0x1400  }
0x1d: {  	[sflag:s14] =	ssyncset.done $0x0  }
0x1e: {  	[sflag:s14] =	ssyncadd.s32 $0xFFFFEC00  }
0x1f: {  	[tilespmem:s15], [sflag:$0x3] =	stream.linear.gather [hbm4b:s8+s3], $0x1400, $0x38;
	[tilespmem:$0x1E800] =	vst v63  }
0x20: {  	_ =	swait.ge [sflag:s14], $0x1400  }
0x21: {  	[sflag:s14] =	ssyncset.done $0x0  }
0x22: {  	[sflag:s14] =	ssyncadd.s32 $0xFFFFEC00  }
0x23: {  	[tilespmem:s17], [sflag:$0x1] =	stream.indirect.gather [hbm4b:s4+s16], $0x80, s3, s16, $0xb8;
	[tilespmem:$0x1E800] =	vst v63  }
0x24: {  	s25 =	simm.s32 $0x80  }
0x25: {  	[tilespmem:s18], [sflag:$0x2] =	stream.indirect.gather [hbm4b:s4+s16], $0x80, s25, s16, $0xb8;
	[tilespmem:$0x1E800] =	vst v63  }
0x26: {  	_ =	swait.ge [sflag:s19], $0x4000  }
0x27: {  	[sflag:s19] =	ssyncset.done $0x0  }
0x28: {  	s29 =	simm.s32 $0x1400;
	[sflag:s19] =	ssyncadd.s32 $0xFFFFC000  }
0x29: {  	[spmem:s1] =	stream.indirect.scatter.add.f32 [tilespmem:s17], [sflag:$0x3], $0x80, s29, s16, $0xb8;
	[tilespmem:$0x1E800] =	vst v63  }
0x2a: {  	_ =	swait.ge [sflag:s14], $0x4000  }
0x2b: {  	[sflag:s14] =	ssyncset.done $0x0  }
0x2c: {  	s30 =	simm.s32 $0x100;
	[sflag:s14] =	ssyncadd.s32 $0xFFFFC000  }
0x2d: {  	[tilespmem:s17], [sflag:$0x1] =	stream.indirect.gather [hbm4b:s4+s16], $0x80, s30, s16, $0xb8;
	[tilespmem:$0x1E800] =	vst v63  }
0x2e: {  	_ =	swait.ge [sflag:s20], $0x4000  }
0x2f: {  	[sflag:s20] =	ssyncset.done $0x0  }
0x30: {  	s31 =	simm.s32 $0x1480;
	[sflag:s20] =	ssyncadd.s32 $0xFFFFC000  }
0x31: {  	[spmem:s1] =	stream.indirect.scatter.add.f32 [tilespmem:s18], [sflag:$0x3], $0x80, s31, s16, $0xb8;
	[tilespmem:$0x1E800] =	vst v63  }
0x32: {  	_ =	swait.ge [sflag:s14], $0x4000  }
0x33: {  	s26 =	simm.s32 $0x800;
	s25 =	simm.s32 $0x100;
	[sflag:s14] =	ssyncset.done $0x0  }
.LBB2_2:
0x34: {  	s28 =	sadd.s32 $0x80, s25  }
0x35: {  	[sflag:s14] =	ssyncadd.s32 $0xFFFFC000;
	s29 =	smov.u32 s26;
	s30 =	sadd.s32 $0x400, s26  }
0x36: {  	[tilespmem:s18], [sflag:$0x2] =	stream.indirect.gather [hbm4b:s4+s16], $0x80, s28, s16, $0xb8;
	[tilespmem:$0x1E800] =	vst v63  }
0x37: {  	p0 =	sne.s32 s26, $0x4800;
	_ =	swait.ge [sflag:s19], $0x4000  }
0x38: {  	[sflag:s19] =	ssyncset.done $0x0  }
0x39: {  	s26 =	sadd.s32 $0x1400, s25;
	[sflag:s19] =	ssyncadd.s32 $0xFFFFC000  }
0x3a: {  	[spmem:s1] =	stream.indirect.scatter.add.f32 [tilespmem:s17], [sflag:$0x3], $0x80, s26, s16, $0xb8;
	[tilespmem:$0x1E800] =	vst v63  }
0x3b: {  	_ =	swait.ge [sflag:s14], $0x4000  }
0x3c: {  	[sflag:s14] =	ssyncset.done $0x0  }
0x3d: {  	s26 =	sadd.s32 $0x100, s25;
	[sflag:s14] =	ssyncadd.s32 $0xFFFFC000  }
0x3e: {  	[tilespmem:s17], [sflag:$0x1] =	stream.indirect.gather [hbm4b:s4+s16], $0x80, s26, s16, $0xb8;
	[tilespmem:$0x1E800] =	vst v63  }
0x3f: {  	_ =	swait.ge [sflag:s20], $0x4000  }
.Ltmp0:
0x40: {  	[sflag:s20] =	ssyncset.done $0x0;
	(pc) =	sbr.rel @p0 .LBB2_2-.Ltmp0, $4  }
0x41: {  	s25 =	sadd.s32 $0x1480, s25;
	[sflag:s20] =	ssyncadd.s32 $0xFFFFC000  }
0x42: {  	[spmem:s1] =	stream.indirect.scatter.add.f32 [tilespmem:s18], [sflag:$0x3], $0x80, s25, s16, $0xb8;
	[tilespmem:$0x1E800] =	vst v63  }
0x43: {  	_ =	swait.ge [sflag:s14], $0x4000  }
0x44: {  	s26 =	smov.u32 s30;
	s25 =	sshra.s32 s29, $0x2;
	[sflag:s14] =	ssyncset.done $0x0  }
0x45: {  	s26 =	sadd.s32 $0x80, s25;
	[sflag:s14] =	ssyncadd.s32 $0xFFFFC000  }
0x46: {  	[tilespmem:s18], [sflag:$0x2] =	stream.indirect.gather [hbm4b:s4+s16], $0x80, s26, s16, $0xb8;
	[tilespmem:$0x1E800] =	vst v63  }
0x47: {  	_ =	swait.ge [sflag:s19], $0x4000  }
0x48: {  	[sflag:s19] =	ssyncset.done $0x0  }
0x49: {  	s29 =	sadd.s32 $0x1400, s25;
	[sflag:s19] =	ssyncadd.s32 $0xFFFFC000  }
0x4a: {  	[spmem:s1] =	stream.indirect.scatter.add.f32 [tilespmem:s17], [sflag:$0x3], $0x80, s29, s16, $0xb8;
	[tilespmem:$0x1E800] =	vst v63  }
0x4b: {  	_ =	swait.ge [sflag:s14], $0x4000  }
0x4c: {  	[sflag:s14] =	ssyncset.done $0x0  }
0x4d: {  	s30 =	sadd.s32 $0x100, s25;
	[sflag:s14] =	ssyncadd.s32 $0xFFFFC000  }
0x4e: {  	[tilespmem:s17], [sflag:$0x1] =	stream.indirect.gather [hbm4b:s4+s16], $0x80, s30, s16, $0xb8;
	[tilespmem:$0x1E800] =	vst v63  }
0x4f: {  	_ =	swait.ge [sflag:s20], $0x4000  }
0x50: {  	[sflag:s20] =	ssyncset.done $0x0  }
0x51: {  	s31 =	sadd.s32 $0x1480, s25;
	[sflag:s20] =	ssyncadd.s32 $0xFFFFC000  }
0x52: {  	[spmem:s1] =	stream.indirect.scatter.add.f32 [tilespmem:s18], [sflag:$0x3], $0x80, s31, s16, $0xb8;
	[tilespmem:$0x1E800] =	vst v63  }
0x53: {  	_ =	swait.ge [sflag:s14], $0x4000  }
0x54: {  	[sflag:s14] =	ssyncset.done $0x0  }
0x55: {  	[sflag:s14] =	ssyncadd.s32 $0xFFFFC000  }
0x56: {  	[tilespmem:s18], [sflag:$0x2] =	stream.indirect.gather [hbm4b:s4+s16], $0x80, s21, s16, $0xb8;
	[tilespmem:$0x1E800] =	vst v63  }
0x57: {  	_ =	swait.ge [sflag:s19], $0x4000  }
0x58: {  	[sflag:s19] =	ssyncset.done $0x0  }
0x59: {  	[sflag:s19] =	ssyncadd.s32 $0xFFFFC000  }
0x5a: {  	[spmem:s1] =	stream.indirect.scatter.add.f32 [tilespmem:s17], [sflag:$0x3], $0x80, s22, s16, $0xb8;
	[tilespmem:$0x1E800] =	vst v63  }
0x5b: {  	_ =	swait.ge [sflag:s14], $0x4000  }
0x5c: {  	[sflag:s14] =	ssyncset.done $0x0  }
0x5d: {  	[sflag:s14] =	ssyncadd.s32 $0xFFFFC000  }
0x5e: {  	[tilespmem:s17], [sflag:$0x1] =	stream.indirect.gather [hbm4b:s4+s16], $0x80, s21, s16, $0xb8;
	[tilespmem:$0x1E800] =	vst v63  }
0x5f: {  	_ =	swait.ge [sflag:s20], $0x4000  }
0x60: {  	[sflag:s20] =	ssyncset.done $0x0  }
0x61: {  	[sflag:s20] =	ssyncadd.s32 $0xFFFFC000  }
0x62: {  	[spmem:s1] =	stream.indirect.scatter.add.f32 [tilespmem:s18], [sflag:$0x3], $0x80, s23, s16, $0xb8;
	[tilespmem:$0x1E800] =	vst v63  }
0x63: {  	_ =	swait.ge [sflag:s14], $0x4000  }
0x64: {  	[sflag:s14] =	ssyncset.done $0x0  }
0x65: {  	[sflag:s14] =	ssyncadd.s32 $0xFFFFC000  }
0x66: {  	_ =	swait.ge [sflag:s19], $0x4000  }
0x67: {  	[sflag:s19] =	ssyncset.done $0x0  }
0x68: {  	s26 =	simm.s32 $0x0;
	[sflag:s19] =	ssyncadd.s32 $0xFFFFC000  }
0x69: {  	[tilespmem:s26], [sflag:$0x3] =	stream.linear.gather [hbm4b:s9+s26], $0x1400, $0x38;
	[tilespmem:$0x1E800] =	vst v63  }
0x6a: {  	_ =	swait.ge [sflag:s14], $0x1400  }
0x6b: {  	[sflag:s14] =	ssyncset.done $0x0  }
0x6c: {  	[sflag:s14] =	ssyncadd.s32 $0xFFFFEC00  }
0x6d: {  	[tilespmem:s15], [sflag:$0x3] =	stream.linear.gather [hbm4b:s10+s26], $0x1400, $0x38;
	[tilespmem:$0x1E800] =	vst v63  }
0x6e: {  	_ =	swait.ge [sflag:s14], $0x1400  }
0x6f: {  	[sflag:s14] =	ssyncset.done $0x0  }
0x70: {  	[sflag:s14] =	ssyncadd.s32 $0xFFFFEC00  }
0x71: {  	[tilespmem:s17], [sflag:$0x1] =	stream.indirect.gather [hbm4b:s4+s16], $0x80, s26, s16, $0xb8;
	[tilespmem:$0x1E800] =	vst v63  }
0x72: {  	s28 =	simm.s32 $0x80  }
0x73: {  	[tilespmem:s18], [sflag:$0x2] =	stream.indirect.gather [hbm4b:s4+s16], $0x80, s28, s16, $0xb8;
	[tilespmem:$0x1E800] =	vst v63  }
0x74: {  	_ =	swait.ge [sflag:s19], $0x4000  }
0x75: {  	[sflag:s19] =	ssyncset.done $0x0  }
0x76: {  	s29 =	simm.s32 $0x1400;
	[sflag:s19] =	ssyncadd.s32 $0xFFFFC000  }
0x77: {  	[spmem:s1] =	stream.indirect.scatter.add.f32 [tilespmem:s17], [sflag:$0x3], $0x80, s29, s16, $0xb8;
	[tilespmem:$0x1E800] =	vst v63  }
0x78: {  	_ =	swait.ge [sflag:s14], $0x4000  }
0x79: {  	[sflag:s14] =	ssyncset.done $0x0  }
0x7a: {  	s30 =	simm.s32 $0x100;
	[sflag:s14] =	ssyncadd.s32 $0xFFFFC000  }
0x7b: {  	[tilespmem:s17], [sflag:$0x1] =	stream.indirect.gather [hbm4b:s4+s16], $0x80, s30, s16, $0xb8;
	[tilespmem:$0x1E800] =	vst v63  }
0x7c: {  	_ =	swait.ge [sflag:s20], $0x4000  }
0x7d: {  	[sflag:s20] =	ssyncset.done $0x0  }
0x7e: {  	s31 =	simm.s32 $0x1480;
	[sflag:s20] =	ssyncadd.s32 $0xFFFFC000  }
0x7f: {  	[spmem:s1] =	stream.indirect.scatter.add.f32 [tilespmem:s18], [sflag:$0x3], $0x80, s31, s16, $0xb8;
	[tilespmem:$0x1E800] =	vst v63  }
0x80: {  	_ =	swait.ge [sflag:s14], $0x4000  }
0x81: {  	s25 =	simm.s32 $0x100;
	s26 =	simm.s32 $0x800;
	[sflag:s14] =	ssyncset.done $0x0  }
.LBB2_4:
0x82: {  	s28 =	sadd.s32 $0x80, s25  }
0x83: {  	[sflag:s14] =	ssyncadd.s32 $0xFFFFC000;
	s29 =	smov.u32 s26;
	s30 =	sadd.s32 $0x400, s26  }
0x84: {  	[tilespmem:s18], [sflag:$0x2] =	stream.indirect.gather [hbm4b:s4+s16], $0x80, s28, s16, $0xb8;
	[tilespmem:$0x1E800] =	vst v63  }
0x85: {  	p0 =	sne.s32 s26, $0x4800;
	_ =	swait.ge [sflag:s19], $0x4000  }
0x86: {  	[sflag:s19] =	ssyncset.done $0x0  }
0x87: {  	s26 =	sadd.s32 $0x1400, s25;
	[sflag:s19] =	ssyncadd.s32 $0xFFFFC000  }
0x88: {  	[spmem:s1] =	stream.indirect.scatter.add.f32 [tilespmem:s17], [sflag:$0x3], $0x80, s26, s16, $0xb8;
	[tilespmem:$0x1E800] =	vst v63  }
0x89: {  	_ =	swait.ge [sflag:s14], $0x4000  }
0x8a: {  	[sflag:s14] =	ssyncset.done $0x0  }
0x8b: {  	s26 =	sadd.s32 $0x100, s25;
	[sflag:s14] =	ssyncadd.s32 $0xFFFFC000  }
0x8c: {  	[tilespmem:s17], [sflag:$0x1] =	stream.indirect.gather [hbm4b:s4+s16], $0x80, s26, s16, $0xb8;
	[tilespmem:$0x1E800] =	vst v63  }
0x8d: {  	_ =	swait.ge [sflag:s20], $0x4000  }
.Ltmp1:
0x8e: {  	[sflag:s20] =	ssyncset.done $0x0;
	(pc) =	sbr.rel @p0 .LBB2_4-.Ltmp1, $4  }
0x8f: {  	s25 =	sadd.s32 $0x1480, s25;
	[sflag:s20] =	ssyncadd.s32 $0xFFFFC000  }
0x90: {  	[spmem:s1] =	stream.indirect.scatter.add.f32 [tilespmem:s18], [sflag:$0x3], $0x80, s25, s16, $0xb8;
	[tilespmem:$0x1E800] =	vst v63  }
0x91: {  	_ =	swait.ge [sflag:s14], $0x4000  }
0x92: {  	s26 =	smov.u32 s30;
	s25 =	sshra.s32 s29, $0x2;
	[sflag:s14] =	ssyncset.done $0x0  }
0x93: {  	s26 =	sadd.s32 $0x80, s25;
	[sflag:s14] =	ssyncadd.s32 $0xFFFFC000  }
0x94: {  	[tilespmem:s18], [sflag:$0x2] =	stream.indirect.gather [hbm4b:s4+s16], $0x80, s26, s16, $0xb8;
	[tilespmem:$0x1E800] =	vst v63  }
0x95: {  	_ =	swait.ge [sflag:s19], $0x4000  }
0x96: {  	[sflag:s19] =	ssyncset.done $0x0  }
0x97: {  	s29 =	sadd.s32 $0x1400, s25;
	[sflag:s19] =	ssyncadd.s32 $0xFFFFC000  }
0x98: {  	[spmem:s1] =	stream.indirect.scatter.add.f32 [tilespmem:s17], [sflag:$0x3], $0x80, s29, s16, $0xb8;
	[tilespmem:$0x1E800] =	vst v63  }
0x99: {  	_ =	swait.ge [sflag:s14], $0x4000  }
0x9a: {  	[sflag:s14] =	ssyncset.done $0x0  }
0x9b: {  	s30 =	sadd.s32 $0x100, s25;
	[sflag:s14] =	ssyncadd.s32 $0xFFFFC000  }
0x9c: {  	[tilespmem:s17], [sflag:$0x1] =	stream.indirect.gather [hbm4b:s4+s16], $0x80, s30, s16, $0xb8;
	[tilespmem:$0x1E800] =	vst v63  }
0x9d: {  	_ =	swait.ge [sflag:s20], $0x4000  }
0x9e: {  	[sflag:s20] =	ssyncset.done $0x0  }
0x9f: {  	s31 =	sadd.s32 $0x1480, s25;
	[sflag:s20] =	ssyncadd.s32 $0xFFFFC000  }
0xa0: {  	[spmem:s1] =	stream.indirect.scatter.add.f32 [tilespmem:s18], [sflag:$0x3], $0x80, s31, s16, $0xb8;
	[tilespmem:$0x1E800] =	vst v63  }
0xa1: {  	_ =	swait.ge [sflag:s14], $0x4000  }
0xa2: {  	[sflag:s14] =	ssyncset.done $0x0  }
0xa3: {  	[sflag:s14] =	ssyncadd.s32 $0xFFFFC000  }
0xa4: {  	[tilespmem:s18], [sflag:$0x2] =	stream.indirect.gather [hbm4b:s4+s16], $0x80, s21, s16, $0xb8;
	[tilespmem:$0x1E800] =	vst v63  }
0xa5: {  	_ =	swait.ge [sflag:s19], $0x4000  }
0xa6: {  	[sflag:s19] =	ssyncset.done $0x0  }
0xa7: {  	[sflag:s19] =	ssyncadd.s32 $0xFFFFC000  }
0xa8: {  	[spmem:s1] =	stream.indirect.scatter.add.f32 [tilespmem:s17], [sflag:$0x3], $0x80, s22, s16, $0xb8;
	[tilespmem:$0x1E800] =	vst v63  }
0xa9: {  	_ =	swait.ge [sflag:s14], $0x4000  }
0xaa: {  	[sflag:s14] =	ssyncset.done $0x0  }
0xab: {  	[sflag:s14] =	ssyncadd.s32 $0xFFFFC000  }
0xac: {  	[tilespmem:s17], [sflag:$0x1] =	stream.indirect.gather [hbm4b:s4+s16], $0x80, s21, s16, $0xb8;
	[tilespmem:$0x1E800] =	vst v63  }
0xad: {  	_ =	swait.ge [sflag:s20], $0x4000  }
0xae: {  	[sflag:s20] =	ssyncset.done $0x0  }
0xaf: {  	[sflag:s20] =	ssyncadd.s32 $0xFFFFC000  }
0xb0: {  	[spmem:s1] =	stream.indirect.scatter.add.f32 [tilespmem:s18], [sflag:$0x3], $0x80, s23, s16, $0xb8;
	[tilespmem:$0x1E800] =	vst v63  }
0xb1: {  	_ =	swait.ge [sflag:s14], $0x4000  }
0xb2: {  	[sflag:s14] =	ssyncset.done $0x0  }
0xb3: {  	[sflag:s14] =	ssyncadd.s32 $0xFFFFC000  }
0xb4: {  	_ =	swait.ge [sflag:s19], $0x4000  }
0xb5: {  	s24 =	sadd.s32 $0x1, s24;
	[sflag:s19] =	ssyncset.done $0x0  }
0xb6: {  	p0 =	sne.s32 s24, s12;
	[sflag:s19] =	ssyncadd.s32 $0xFFFFC000  }
.Ltmp2:
0xb7: {  	[bflag:$0x0] =	sbarrier.arrive $0xFFFF;
	(pc) =	sbr.rel @p0 .LBB2_1-.Ltmp2, $4  }
0xb8: {  	[hbm:s11], [sflag:s6] =	dma.local [spmem:s13], $0x2800  }
0xb9: {  	_ =	swait.ge [sflag:s14], $0x2800  }
0xba: {  	[sflag:s14] =	ssyncset.done $0x0  }
0xbb: {  	[sflag:s14] =	ssyncadd.s32 $0xFFFFD800  }
0xbc: {  	_ =	sfence.sel $0x180000  }
0xbd: {  	[bflag:$0x0] =	sbarrier.arrive $0xFFFF  }
0xbe: {  	p0 =	sne.s32 s2, $0x0;
	_ =	strace $0x9000004A  }
0xbf: {  	s0 =	sadd.s32 @!p0 $0x100000, s0;
	[bflag:$0x2] =	sbarrier.arrive $0xFFFF  }
0xc0: {  	[sflag:s0] =	ssyncadd.tile.s32 @!p0 $0x1;
	_ =	shalt  }
.Lfunc_end2:
_tile_overlayer_lowered:
.L_overlay_start_2:
0xc1: {  	(tag) =	ssettag $0x2  }
0xc2: {  	s0 =	rddreg [dreg:$0x0];
	s2 =	stileid.u32  }
0xc3: {  	s1 =	rddreg [dreg:$0x1];
	p0 =	sne.s32 s2, $0x0  }
0xc4: {  	s3 =	rddreg [dreg:$0x2];
	[bflag:$0x3] =	sbarrier.arrive $0xFFFF;
	s2 =	simm.s32 @!p0 $0x1C03  }
0xc5: {  	[timem:s3], [sflag:s2] =	dma.local @!p0 [hbm:s0], s1  }
0xc6: {  	s0 =	simm.s32 @!p0 $0x3  }
0xc7: {  	_ =	swait.ge @!p0 [sflag:s0], s1  }
0xc8: {  	s1 =	ssub.s32 @!p0 $0x0, s1;
	[sflag:s0] =	ssyncset.done @!p0 $0x0  }
0xc9: {  	[sflag:s0] =	ssyncadd.s32 @!p0 s1  }
0xca: {  	[bflag:$0x3] =	sbarrier.arrive $0xFFFF  }
0xcb: {  	_ =	shalt  }

// kernel: kernel.14.cloned.1.call-start
scs
__scs_entry_jumppad:
0x0: {  	(pc) =	sbr.rel $0x88, $3  }
0x1: {  	(tag) =	ssettag $0x0;
	lr =	simm.s32 $0x1  }
0x2: {  	[smem:$0x3F99] =	sst lr;
	_ =	strace $0xD0000000  }
0x3: {  	_ = 	snop  }
0x4: {  	_ = 	snop  }
0x5: {  	_ = 	snop  }
0x6: {  	_ = 	snop  }
0x7: {  	_ = 	snop  }
__scs_overlays_trampoline_lowered:
0x8: {  	[smem:$0x3FA8] =	sst s0  }
0x9: {  	[smem:$0x3FA9] =	sst s1  }
0xa: {  	[smem:$0x3FAA] =	sst s2  }
0xb: {  	[smem:$0x3FAB] =	sst s3  }
0xc: {  	[smem:$0x3FAC] =	sst s4  }
0xd: {  	[smem:$0x3FAD] =	sst s5  }
0xe: {  	[smem:$0x3FAE] =	sst s6  }
0xf: {  	[smem:$0x3FAF] =	sst s7  }
0x10: {  	[smem:$0x3FB0] =	sst s8  }
0x11: {  	[smem:$0x3FB1] =	sst s9;
	s0 =	simm.s32 @!p0 $0x0  }
0x12: {  	s1 =	sld [smem:$0x3F97];
	s0 =	simm.s32 @p0 $0x1  }
0x13: {  	[smem:$0x3FB2] =	sst s0;
	s0 =	simm.s32 @!p1 $0x0  }
0x14: {  	s2 =	sld [smem:$0x3F96];
	s0 =	simm.s32 @p1 $0x1  }
0x15: {  	[smem:$0x3FB3] =	sst s0;
	s0 =	simm.s32 @!p2 $0x0  }
0x16: {  	s3 =	sld [smem:$0x3FDB];
	s0 =	simm.s32 @p2 $0x1  }
0x17: {  	s4 =	simm.s32 $0x1BF5;
	[smem:$0x3FB5] =	sst s0  }
0x18: {  	s0 =	sld [smem:$0x3F98];
	_ =	swait.ge [sflag:s4], $0x0  }
0x19: {  	s7 =	sld [smem:$0x3F99]  }
0x1a: {  	s8 =	sadd.s32 $0xFFFFE003, lr  }
0x1b: {  	s9 =	sadd.s32 $0xFFFFFEF7, lr;
	s5 =	simm.s32 $0xFFFFFFFF;
	p2 =	slt.u32 s8, $0xFFFFF086  }
0x1c: {  	p1 =	slt.u32 s9, $0xF7A;
	s5 =	simm.s32 @!p2 $0x0  }
0x1d: {  	s5 =	simm.s32 @p1 $0x1;
	p0 =	seq.s32 s7, s2  }
0x1e: {  	s7 =	smul.u32 @!p0 $0xF7A, s2;
	p2 =	seq.s32 @!p0 s5, $0x0  }
0x1f: {  	s9 =	smul.u32 $0xF7A, s1;
	s8 =	simm.s32 @!p0 $0x1BF5;
	p2 =	por !p2, p0  }
0x20: {  	[sflag:s8] =	ssyncset.s32 @!p0 $0xFFFFF086;
	s6 =	sadd.s32 @!p0 s3, s7;
	s7 =	simm.s32 @!p0 $0x108  }
0x21: {  	s3 =	sadd.s32 s3, s9;
	s6 =	sadd.s32 @!p0 $0x88, s6;
	s7 =	simm.s32 @p2 $0x1082  }
0x22: {  	[simem:s7], [sflag:s8] =	dma.local @!p0 [hbm:s6], $0xF7A  }
0x23: {  	s9 =	sor.u32 $0xD0000000, s2;
	s6 =	simm.s32 $0x108;
	_ =	swait.ge @!p0 [sflag:s8], $0x0  }
0x24: {  	s3 =	sadd.s32 $0x88, s3;
	s6 =	simm.s32 @!p1 $0x1082;
	[sflag:s4] =	ssyncset.s32 $0xFFFFF086  }
0x25: {  	[simem:s6], [sflag:s4] =	dma.local [hbm:s3], $0xF7A  }
0x26: {  	[smem:$0x3F99] =	sst s1;
	(tag) =	ssettag s2;
	_ =	strace s9  }
0x27: {  	s1 =	sld [smem:$0x3FA9]  }
0x28: {  	s2 =	sld [smem:$0x3FAA]  }
0x29: {  	s4 =	sld [smem:$0x3FAC]  }
0x2a: {  	p0 =	seq.s32 s5, $0x0;
	s5 =	sld [smem:$0x3FAD]  }
0x2b: {  	s6 =	sld [smem:$0x3FAE]  }
0x2c: {  	s7 =	sld [smem:$0x3FAF]  }
0x2d: {  	s3 =	simm.s32 $0x108;
	s8 =	sld [smem:$0x3FB0]  }
0x2e: {  	s3 =	simm.s32 @!p0 $0x1082;
	s9 =	sld [smem:$0x3FB1]  }
0x2f: {  	lr =	sadd.s32 s0, s3;
	s0 =	sld [smem:$0x3FA8]  }
0x30: {  	s3 =	sld [smem:$0x3FAB]  }
0x31: {  	[smem:$0x3FB4] =	sst s10  }
0x32: {  	s10 =	sld [smem:$0x3FB2];
	_ =	sdelay $0x3  }
0x33: {  	p0 =	seq.s32 s10, $0x1;
	s10 =	sld [smem:$0x3FB4];
	_ =	sdelay $0x3  }
0x34: {  	[smem:$0x3FB4] =	sst s10  }
0x35: {  	s10 =	sld [smem:$0x3FB3];
	_ =	sdelay $0x3  }
0x36: {  	p1 =	seq.s32 s10, $0x1;
	s10 =	sld [smem:$0x3FB4];
	_ =	sdelay $0x3  }
0x37: {  	[smem:$0x3FB4] =	sst s10  }
0x38: {  	s10 =	sld [smem:$0x3FB5]  }
0x39: {  	_ = 	snop;
	(pc) =	sbr.ind lr, $3  }
0x3a: {  	_ = 	snop  }
0x3b: {  	_ = 	snop  }
0x3c: {  	p2 =	seq.s32 s10, $0x1;
	s10 =	sld [smem:$0x3FB4]  }
0x3d: {  	_ =	shalt  }
0x3e: {  	_ =	shalt  }
0x3f: {  	_ =	shalt  }
0x40: {  	_ =	shalt  }
0x41: {  	_ =	shalt  }
0x42: {  	_ =	shalt  }
0x43: {  	_ =	shalt  }
0x44: {  	_ =	shalt  }
0x45: {  	_ =	shalt  }
0x46: {  	_ =	shalt  }
0x47: {  	_ =	shalt  }
0x48: {  	_ =	shalt  }
0x49: {  	_ =	shalt  }
0x4a: {  	_ =	shalt  }
0x4b: {  	_ =	shalt  }
0x4c: {  	_ =	shalt  }
0x4d: {  	_ =	shalt  }
0x4e: {  	_ =	shalt  }
0x4f: {  	_ =	shalt  }
0x50: {  	_ =	shalt  }
0x51: {  	_ =	shalt  }
0x52: {  	_ =	shalt  }
0x53: {  	_ =	shalt  }
0x54: {  	_ =	shalt  }
0x55: {  	_ =	shalt  }
0x56: {  	_ =	shalt  }
0x57: {  	_ =	shalt  }
0x58: {  	_ =	shalt  }
0x59: {  	_ =	shalt  }
0x5a: {  	_ =	shalt  }
0x5b: {  	_ =	shalt  }
0x5c: {  	_ =	shalt  }
0x5d: {  	_ =	shalt  }
0x5e: {  	_ =	shalt  }
0x5f: {  	_ =	shalt  }
0x60: {  	_ =	shalt  }
0x61: {  	_ =	shalt  }
0x62: {  	_ =	shalt  }
0x63: {  	_ =	shalt  }
0x64: {  	_ =	shalt  }
0x65: {  	_ =	shalt  }
0x66: {  	_ =	shalt  }
0x67: {  	_ =	shalt  }
0x68: {  	_ =	shalt  }
0x69: {  	_ =	shalt  }
0x6a: {  	_ =	shalt  }
0x6b: {  	_ =	shalt  }
0x6c: {  	_ =	shalt  }
0x6d: {  	_ =	shalt  }
0x6e: {  	_ =	shalt  }
0x6f: {  	_ =	shalt  }
0x70: {  	_ =	shalt  }
0x71: {  	_ =	shalt  }
0x72: {  	_ =	shalt  }
0x73: {  	_ =	shalt  }
0x74: {  	_ =	shalt  }
0x75: {  	_ =	shalt  }
0x76: {  	_ =	shalt  }
0x77: {  	_ =	shalt  }
0x78: {  	_ =	shalt  }
0x79: {  	_ =	shalt  }
0x7a: {  	_ =	shalt  }
0x7b: {  	_ =	shalt  }
0x7c: {  	_ =	shalt  }
0x7d: {  	_ =	shalt  }
0x7e: {  	_ =	shalt  }
0x7f: {  	_ =	shalt  }
0x80: {  	_ =	shalt  }
0x81: {  	_ =	shalt  }
0x82: {  	_ =	shalt  }
0x83: {  	_ =	shalt  }
0x84: {  	_ =	shalt  }
0x85: {  	_ =	shalt  }
0x86: {  	_ =	shalt  }
0x87: {  	_ =	shalt  }
.Lfunc_end0:
.L_simem_size_0:
called_computation.2_lowered:
.L_overlay_start_0:
0x88: {  	s2 =	sld [smem:$0x3FD9]  }
0x89: {  	s3 =	sld [smem:$0x3FFE];
	_ =	sdelay $0x1  }
0x8a: {  	s1 =	srdreg.scid  }
0x8b: {  	s0 =	sand.u32 $0x1, s1  }
0x8c: {  	s14 =	sshll.u32 s0, $0xA;
	s2 =	sadd.s32 s3, s2  }
0x8d: {  	s2 =	sadd.s32 s2, s14  }
0x8e: {  	[smem:$0x3FC0] =	sst s2  }
0x8f: {  	_ = 	snop  }
0x90: {  	s2 =	sld [smem:$0x3FD0];
	_ =	sdelay $0x2  }
0x91: {  	s15 =	simm.s32 $0xA;
	s4 =	simm.s32 $0x10  }
0x92: {  	[smem:s4], [sflag:s15] =	dma.local [hbm:s2], $0x1  }
0x93: {  	_ =	swait.eq [sflag:s15], $0x1  }
0x94: {  	[sflag:s15] =	ssyncset.done $0x0  }
0x95: {  	s16 =	sld [smem:$0x10];
	[sflag:s15] =	ssyncadd.s32 $0xFFFFFFFF  }
0x96: {  	s17 =	sld [smem:$0x11];
	(tm) =	ssettm $0x1  }
0x97: {  	s18 =	sld [smem:$0x3FFB];
	_ =	sdelay $0x3  }
0x98: {  	_ =	strace s18  }
0x99: {  	s4 =	sld [smem:$0x3FFC];
	_ =	sdelay $0x3  }
0x9a: {  	_ =	strace s4  }
0x9b: {  	s4 =	sld [smem:$0x3FFD];
	_ =	sdelay $0x3  }
0x9c: {  	_ =	strace s4  }
0x9d: {  	_ =	strace $0x8FFFFFFF  }
0x9e: {  	s19 =	sld [smem:$0x3FDB];
	_ =	sdelay $0x1  }
0x9f: {  	s5 =	simm.s32 $_scs_section_size  }
0xa0: {  	s6 =	simm.s32 $_size__tile_overlayer_lowered;
	s7 =	simm.s32 $_tile_overlayer_lowered  }
0xa1: {  	s22 =	simm.s32 $0x1BFF;
	s21 =	sshll.u32 s7, $0x1;
	s4 =	sadd.s32 s5, s19  }
0xa2: {  	s8 =	simm.s32 $0x0;
	s20 =	sshll.u32 s6, $0x1;
	s6 =	sadd.s32 s21, s4  }
0xa3: {  	[timem:s8], [sflag:s22] =	dma.local [hbm:s6], s20  }
0xa4: {  	_ =	swait.ge [sflag:s22], s20  }
0xa5: {  	s5 =	ssub.s32 $0x0, s20;
	[sflag:s22] =	ssyncset.done $0x0  }
0xa6: {  	[sflag:s22] =	ssyncadd.s32 s5;
	_ =	sdelay $0x1  }
0xa7: {  	s23 =	simm.s32 $0x1B8B  }
0xa8: {  	_ =	swait.ge [sflag:s23], $0x1  }
0xa9: {  	[sflag:s23] =	ssyncset.done $0x0  }
0xaa: {  	s25 =	simm.s32 $0x1B8E;
	s24 =	sld [smem:$0x3FFE];
	[sflag:s23] =	ssyncadd.s32 $0xFFFFFFFF  }
0xab: {  	s26 =	simm.s32 $execute0_lowered;
	[smem:$0x3FD2] =	sst s25  }
0xac: {  	s6 =	sshll.u32 s26, $0x1;
	_ =	strace $0x8000004C;
	[dreg:$0x1] =	wrdreg $0xFFFFFFFF  }
0xad: {  	s28 =	simm.s32 $_size_execute0_lowered;
	s4 =	sadd.s32 s4, s6;
	[dreg:$0x0] =	wrdreg $0x0  }
0xae: {  	s6 =	sshll.u32 s28, $0x1;
	[dreg:$0x2] =	wrdreg s4  }
0xaf: {  	[dreg:$0x3] =	wrdreg s6  }
0xb0: {  	[dreg:$0x4] =	wrdreg $0xC0  }
0xb1: {  	_ =	task [dreg:s8], $0x5FFFF  }
0xb2: {  	[dreg:$0x1] =	wrdreg $0xFFFFFFFF  }
0xb3: {  	[dreg:$0x0] =	wrdreg $0x60  }
0xb4: {  	[dreg:$0x2] =	wrdreg s24  }
0xb5: {  	[dreg:$0x3] =	wrdreg s17  }
0xb6: {  	[dreg:$0x4] =	wrdreg s16  }
0xb7: {  	[dreg:$0x5] =	wrdreg $0xA8000  }
0xb8: {  	[dreg:$0x6] =	wrdreg $0x9  }
0xb9: {  	_ =	task.clear_ibuf [dreg:s8], $0x7FFFF;
	_ =	strace $0x9000004C  }
0xba: {  	s29 =	simm.s32 $0x9;
	_ =	strace $0x8000004E  }
0xbb: {  	_ =	swait.ge [sflag:s29], $0x1  }
0xbc: {  	[sflag:s29] =	ssyncadd.s32 $0xFFFFFFFF  }
0xbd: {  	_ =	strace $0x9000004E  }
0xbe: {  	_ =	sfence  }
0xbf: {  	s30 =	sld [smem:$0x0];
	_ =	sdelay $0x2  }
0xc0: {  	s31 =	sshll.u32 s1, $0xD;
	s1 =	sshrl.u32 s1, $0x2  }
0xc1: {  	s3 =	sand.u32 $0x4000, s31;
	s1 =	sadd.s32 s1, s30  }
0xc2: {  	s0 =	sor.u32 s3, s0;
	s1 =	sshll.u32 s1, $0x11  }
0xc3: {  	s0 =	sor.u32 s1, s0  }
0xc4: {  	s0 =	sadd.s32 $0x8F2B, s0  }
0xc5: {  	[sflag:s0] =	ssyncadd.remote.s32 $0x1  }
0xc6: {  	_ =	sfence.sel $0xFFFF  }
0xc7: {  	[dreg:$0x0] =	wrdreg $0xFFFFFFFF;
	(pc) =	sbr.abs _section_cstart, $3  }
0xc8: {  	[dreg:$0x1] =	wrdreg $0xFFFFFFFF  }
0xc9: {  	_ =	task.clear_ibuf [dreg:s8], $0x2FFFF;
	_ =	strace $0x9FFFFFFF  }
0xca: {  	(tm) =	ssettm $0x7FFFFFFF  }
0xcb: {  	_ =	shalt  }
tec
execute0_lowered:
.L_overlay_start_1:
0x0: {  	(tag) =	ssettag $0x1  }
0x1: {  	s5 =	rddreg [dreg:$0x0]  }
0x2: {  	s9 =	rddreg [dreg:$0x1]  }
0x3: {  	s10 =	rddreg [dreg:$0x2];
	s2 =	srdreg.scid  }
0x4: {  	s1 =	rddreg [dreg:$0x3];
	s6 =	sand.u32 $0x1, s2  }
0x5: {  	s2 =	stileid.u32;
	s7 =	smul.u32 $0x140000, s6  }
0x6: {  	s0 =	rddreg [dreg:$0x4];
	s3 =	simm.s32 $0x0;
	s8 =	smul.u32 $0x14000, s2  }
0x7: {  	s17 =	simm.s32 $0x2800;
	s18 =	simm.s32 $0x6800;
	s11 =	smul.u32 $0x50000, s2  }
0x8: {  	s19 =	simm.s32 $0x1;
	s20 =	simm.s32 $0x2;
	s22 =	smul.u32 $0x28000, s6  }
0x9: {  	s21 =	simm.s32 $0x1380;
	[smem:$0x7FF] =	sst s3;
	s13 =	smul.u32 $0x2800, s2  }
0xa: {  	s4 =	sadd.s32 $0x7B800, s5;
	_ =	strace $0x8000004D;
	s24 =	smul.u32 $0x50, s2  }
0xb: {  	s12 =	ssub.s32 $0x2, s6;
	s6 =	smul.u32 $0x500, s6;
	s26 =	sshll.u32 s2, $0x6  }
0xc: {  	s30 =	smul.u32 $0x500, s2;
	s23 =	sshrl.u32 s12, $0x1;
	s7 =	sadd.s32 s8, s7  }
0xd: {  	s11 =	sshrl.u32 s11, $0x2;
	s8 =	sadd.s32 s13, s22;
	s12 =	ssub.s32 s12, s23  }
0xe: {  	s28 =	sadd.s32 s24, s6;
	s15 =	sadd.s32 $0x28, s24;
	s22 =	simm.s32 $0x2700  }
0xf: {  	s23 =	simm.s32 $0x2780;
	s24 =	simm.s32 $0x0;
	s7 =	sshrl.u32 s7, $0x3  }
0x10: {  	s25 =	sadd.s32 s11, s1;
	s29 =	sshll.u32 s28, $0x4;
	s16 =	sadd.s32 s6, s15  }
0x11: {  	s6 =	sor.u32 $0x1C03, s26;
	s31 =	sshll.u32 s15, $0x4;
	s12 =	smax.u32 s12, $0x1  }
0x12: {  	s15 =	simm.s32 $0x1400;
	s14 =	sadd.s32 s7, s5;
	s5 =	sadd.s32 s4, s8  }
0x13: {  	s7 =	sadd.s32 s9, s29;
	s16 =	sshll.u32 s16, $0x4;
	s8 =	sadd.s32 s10, s30  }
0x14: {  	s10 =	sadd.s32 s10, s31;
	s13 =	sshrl.u32 s25, $0x3;
	s9 =	sadd.s32 s9, s16  }
0x15: {  	s11 =	sadd.s32 $0xCB800, s14;
	s14 =	simm.s32 $0x3;
	s16 =	simm.s32 $0x80  }
.LBB2_1:
0x16: {  	[spmem:s13], [sflag:s6] =	dma.local [hbm:s5], $0x2800  }
0x17: {  	_ =	swait.ge [sflag:s14], $0x2800  }
0x18: {  	[sflag:s14] =	ssyncset.done $0x0  }
0x19: {  	[sflag:s14] =	ssyncadd.s32 $0xFFFFD800  }
0x1a: {  	[bflag:$0x0] =	sbarrier.arrive $0xFFFF  }
0x1b: {  	[tilespmem:s3], [sflag:$0x3] =	stream.linear.gather [hbm4b:s7+s3], $0x1400, $0x38;
	[tilespmem:$0x1E800] =	vst v63  }
0x1c: {  	_ =	swait.ge [sflag:s14], $0x1400  }
0x1d: {  	[sflag:s14] =	ssyncset.done $0x0  }
0x1e: {  	[sflag:s14] =	ssyncadd.s32 $0xFFFFEC00  }
0x1f: {  	[tilespmem:s15], [sflag:$0x3] =	stream.linear.gather [hbm4b:s8+s3], $0x1400, $0x38;
	[tilespmem:$0x1E800] =	vst v63  }
0x20: {  	_ =	swait.ge [sflag:s14], $0x1400  }
0x21: {  	[sflag:s14] =	ssyncset.done $0x0  }
0x22: {  	[sflag:s14] =	ssyncadd.s32 $0xFFFFEC00  }
0x23: {  	[tilespmem:s17], [sflag:$0x1] =	stream.indirect.gather [hbm4b:s4+s16], $0x80, s3, s16, $0xb8;
	[tilespmem:$0x1E800] =	vst v63  }
0x24: {  	s25 =	simm.s32 $0x80  }
0x25: {  	[tilespmem:s18], [sflag:$0x2] =	stream.indirect.gather [hbm4b:s4+s16], $0x80, s25, s16, $0xb8;
	[tilespmem:$0x1E800] =	vst v63  }
0x26: {  	_ =	swait.ge [sflag:s19], $0x4000  }
0x27: {  	[sflag:s19] =	ssyncset.done $0x0  }
0x28: {  	s29 =	simm.s32 $0x1400;
	[sflag:s19] =	ssyncadd.s32 $0xFFFFC000  }
0x29: {  	[spmem:s1] =	stream.indirect.scatter.add.f32 [tilespmem:s17], [sflag:$0x3], $0x80, s29, s16, $0xb8;
	[tilespmem:$0x1E800] =	vst v63  }
0x2a: {  	_ =	swait.ge [sflag:s14], $0x4000  }
0x2b: {  	[sflag:s14] =	ssyncset.done $0x0  }
0x2c: {  	s30 =	simm.s32 $0x100;
	[sflag:s14] =	ssyncadd.s32 $0xFFFFC000  }
0x2d: {  	[tilespmem:s17], [sflag:$0x1] =	stream.indirect.gather [hbm4b:s4+s16], $0x80, s30, s16, $0xb8;
	[tilespmem:$0x1E800] =	vst v63  }
0x2e: {  	_ =	swait.ge [sflag:s20], $0x4000  }
0x2f: {  	[sflag:s20] =	ssyncset.done $0x0  }
0x30: {  	s31 =	simm.s32 $0x1480;
	[sflag:s20] =	ssyncadd.s32 $0xFFFFC000  }
0x31: {  	[spmem:s1] =	stream.indirect.scatter.add.f32 [tilespmem:s18], [sflag:$0x3], $0x80, s31, s16, $0xb8;
	[tilespmem:$0x1E800] =	vst v63  }
0x32: {  	_ =	swait.ge [sflag:s14], $0x4000  }
0x33: {  	s26 =	simm.s32 $0x800;
	s25 =	simm.s32 $0x100;
	[sflag:s14] =	ssyncset.done $0x0  }
.LBB2_2:
0x34: {  	s28 =	sadd.s32 $0x80, s25  }
0x35: {  	[sflag:s14] =	ssyncadd.s32 $0xFFFFC000;
	s29 =	smov.u32 s26;
	s30 =	sadd.s32 $0x400, s26  }
0x36: {  	[tilespmem:s18], [sflag:$0x2] =	stream.indirect.gather [hbm4b:s4+s16], $0x80, s28, s16, $0xb8;
	[tilespmem:$0x1E800] =	vst v63  }
0x37: {  	p0 =	sne.s32 s26, $0x4800;
	_ =	swait.ge [sflag:s19], $0x4000  }
0x38: {  	[sflag:s19] =	ssyncset.done $0x0  }
0x39: {  	s26 =	sadd.s32 $0x1400, s25;
	[sflag:s19] =	ssyncadd.s32 $0xFFFFC000  }
0x3a: {  	[spmem:s1] =	stream.indirect.scatter.add.f32 [tilespmem:s17], [sflag:$0x3], $0x80, s26, s16, $0xb8;
	[tilespmem:$0x1E800] =	vst v63  }
0x3b: {  	_ =	swait.ge [sflag:s14], $0x4000  }
0x3c: {  	[sflag:s14] =	ssyncset.done $0x0  }
0x3d: {  	s26 =	sadd.s32 $0x100, s25;
	[sflag:s14] =	ssyncadd.s32 $0xFFFFC000  }
0x3e: {  	[tilespmem:s17], [sflag:$0x1] =	stream.indirect.gather [hbm4b:s4+s16], $0x80, s26, s16, $0xb8;
	[tilespmem:$0x1E800] =	vst v63  }
0x3f: {  	_ =	swait.ge [sflag:s20], $0x4000  }
.Ltmp0:
0x40: {  	[sflag:s20] =	ssyncset.done $0x0;
	(pc) =	sbr.rel @p0 .LBB2_2-.Ltmp0, $4  }
0x41: {  	s25 =	sadd.s32 $0x1480, s25;
	[sflag:s20] =	ssyncadd.s32 $0xFFFFC000  }
0x42: {  	[spmem:s1] =	stream.indirect.scatter.add.f32 [tilespmem:s18], [sflag:$0x3], $0x80, s25, s16, $0xb8;
	[tilespmem:$0x1E800] =	vst v63  }
0x43: {  	_ =	swait.ge [sflag:s14], $0x4000  }
0x44: {  	s26 =	smov.u32 s30;
	s25 =	sshra.s32 s29, $0x2;
	[sflag:s14] =	ssyncset.done $0x0  }
0x45: {  	s26 =	sadd.s32 $0x80, s25;
	[sflag:s14] =	ssyncadd.s32 $0xFFFFC000  }
0x46: {  	[tilespmem:s18], [sflag:$0x2] =	stream.indirect.gather [hbm4b:s4+s16], $0x80, s26, s16, $0xb8;
	[tilespmem:$0x1E800] =	vst v63  }
0x47: {  	_ =	swait.ge [sflag:s19], $0x4000  }
0x48: {  	[sflag:s19] =	ssyncset.done $0x0  }
0x49: {  	s29 =	sadd.s32 $0x1400, s25;
	[sflag:s19] =	ssyncadd.s32 $0xFFFFC000  }
0x4a: {  	[spmem:s1] =	stream.indirect.scatter.add.f32 [tilespmem:s17], [sflag:$0x3], $0x80, s29, s16, $0xb8;
	[tilespmem:$0x1E800] =	vst v63  }
0x4b: {  	_ =	swait.ge [sflag:s14], $0x4000  }
0x4c: {  	[sflag:s14] =	ssyncset.done $0x0  }
0x4d: {  	s30 =	sadd.s32 $0x100, s25;
	[sflag:s14] =	ssyncadd.s32 $0xFFFFC000  }
0x4e: {  	[tilespmem:s17], [sflag:$0x1] =	stream.indirect.gather [hbm4b:s4+s16], $0x80, s30, s16, $0xb8;
	[tilespmem:$0x1E800] =	vst v63  }
0x4f: {  	_ =	swait.ge [sflag:s20], $0x4000  }
0x50: {  	[sflag:s20] =	ssyncset.done $0x0  }
0x51: {  	s31 =	sadd.s32 $0x1480, s25;
	[sflag:s20] =	ssyncadd.s32 $0xFFFFC000  }
0x52: {  	[spmem:s1] =	stream.indirect.scatter.add.f32 [tilespmem:s18], [sflag:$0x3], $0x80, s31, s16, $0xb8;
	[tilespmem:$0x1E800] =	vst v63  }
0x53: {  	_ =	swait.ge [sflag:s14], $0x4000  }
0x54: {  	[sflag:s14] =	ssyncset.done $0x0  }
0x55: {  	[sflag:s14] =	ssyncadd.s32 $0xFFFFC000  }
0x56: {  	[tilespmem:s18], [sflag:$0x2] =	stream.indirect.gather [hbm4b:s4+s16], $0x80, s21, s16, $0xb8;
	[tilespmem:$0x1E800] =	vst v63  }
0x57: {  	_ =	swait.ge [sflag:s19], $0x4000  }
0x58: {  	[sflag:s19] =	ssyncset.done $0x0  }
0x59: {  	[sflag:s19] =	ssyncadd.s32 $0xFFFFC000  }
0x5a: {  	[spmem:s1] =	stream.indirect.scatter.add.f32 [tilespmem:s17], [sflag:$0x3], $0x80, s22, s16, $0xb8;
	[tilespmem:$0x1E800] =	vst v63  }
0x5b: {  	_ =	swait.ge [sflag:s14], $0x4000  }
0x5c: {  	[sflag:s14] =	ssyncset.done $0x0  }
0x5d: {  	[sflag:s14] =	ssyncadd.s32 $0xFFFFC000  }
0x5e: {  	[tilespmem:s17], [sflag:$0x1] =	stream.indirect.gather [hbm4b:s4+s16], $0x80, s21, s16, $0xb8;
	[tilespmem:$0x1E800] =	vst v63  }
0x5f: {  	_ =	swait.ge [sflag:s20], $0x4000  }
0x60: {  	[sflag:s20] =	ssyncset.done $0x0  }
0x61: {  	[sflag:s20] =	ssyncadd.s32 $0xFFFFC000  }
0x62: {  	[spmem:s1] =	stream.indirect.scatter.add.f32 [tilespmem:s18], [sflag:$0x3], $0x80, s23, s16, $0xb8;
	[tilespmem:$0x1E800] =	vst v63  }
0x63: {  	_ =	swait.ge [sflag:s14], $0x4000  }
0x64: {  	[sflag:s14] =	ssyncset.done $0x0  }
0x65: {  	[sflag:s14] =	ssyncadd.s32 $0xFFFFC000  }
0x66: {  	_ =	swait.ge [sflag:s19], $0x4000  }
0x67: {  	[sflag:s19] =	ssyncset.done $0x0  }
0x68: {  	s26 =	simm.s32 $0x0;
	[sflag:s19] =	ssyncadd.s32 $0xFFFFC000  }
0x69: {  	[tilespmem:s26], [sflag:$0x3] =	stream.linear.gather [hbm4b:s9+s26], $0x1400, $0x38;
	[tilespmem:$0x1E800] =	vst v63  }
0x6a: {  	_ =	swait.ge [sflag:s14], $0x1400  }
0x6b: {  	[sflag:s14] =	ssyncset.done $0x0  }
0x6c: {  	[sflag:s14] =	ssyncadd.s32 $0xFFFFEC00  }
0x6d: {  	[tilespmem:s15], [sflag:$0x3] =	stream.linear.gather [hbm4b:s10+s26], $0x1400, $0x38;
	[tilespmem:$0x1E800] =	vst v63  }
0x6e: {  	_ =	swait.ge [sflag:s14], $0x1400  }
0x6f: {  	[sflag:s14] =	ssyncset.done $0x0  }
0x70: {  	[sflag:s14] =	ssyncadd.s32 $0xFFFFEC00  }
0x71: {  	[tilespmem:s17], [sflag:$0x1] =	stream.indirect.gather [hbm4b:s4+s16], $0x80, s26, s16, $0xb8;
	[tilespmem:$0x1E800] =	vst v63  }
0x72: {  	s28 =	simm.s32 $0x80  }
0x73: {  	[tilespmem:s18], [sflag:$0x2] =	stream.indirect.gather [hbm4b:s4+s16], $0x80, s28, s16, $0xb8;
	[tilespmem:$0x1E800] =	vst v63  }
0x74: {  	_ =	swait.ge [sflag:s19], $0x4000  }
0x75: {  	[sflag:s19] =	ssyncset.done $0x0  }
0x76: {  	s29 =	simm.s32 $0x1400;
	[sflag:s19] =	ssyncadd.s32 $0xFFFFC000  }
0x77: {  	[spmem:s1] =	stream.indirect.scatter.add.f32 [tilespmem:s17], [sflag:$0x3], $0x80, s29, s16, $0xb8;
	[tilespmem:$0x1E800] =	vst v63  }
0x78: {  	_ =	swait.ge [sflag:s14], $0x4000  }
0x79: {  	[sflag:s14] =	ssyncset.done $0x0  }
0x7a: {  	s30 =	simm.s32 $0x100;
	[sflag:s14] =	ssyncadd.s32 $0xFFFFC000  }
0x7b: {  	[tilespmem:s17], [sflag:$0x1] =	stream.indirect.gather [hbm4b:s4+s16], $0x80, s30, s16, $0xb8;
	[tilespmem:$0x1E800] =	vst v63  }
0x7c: {  	_ =	swait.ge [sflag:s20], $0x4000  }
0x7d: {  	[sflag:s20] =	ssyncset.done $0x0  }
0x7e: {  	s31 =	simm.s32 $0x1480;
	[sflag:s20] =	ssyncadd.s32 $0xFFFFC000  }
0x7f: {  	[spmem:s1] =	stream.indirect.scatter.add.f32 [tilespmem:s18], [sflag:$0x3], $0x80, s31, s16, $0xb8;
	[tilespmem:$0x1E800] =	vst v63  }
0x80: {  	_ =	swait.ge [sflag:s14], $0x4000  }
0x81: {  	s25 =	simm.s32 $0x100;
	s26 =	simm.s32 $0x800;
	[sflag:s14] =	ssyncset.done $0x0  }
.LBB2_4:
0x82: {  	s28 =	sadd.s32 $0x80, s25  }
0x83: {  	[sflag:s14] =	ssyncadd.s32 $0xFFFFC000;
	s29 =	smov.u32 s26;
	s30 =	sadd.s32 $0x400, s26  }
0x84: {  	[tilespmem:s18], [sflag:$0x2] =	stream.indirect.gather [hbm4b:s4+s16], $0x80, s28, s16, $0xb8;
	[tilespmem:$0x1E800] =	vst v63  }
0x85: {  	p0 =	sne.s32 s26, $0x4800;
	_ =	swait.ge [sflag:s19], $0x4000  }
0x86: {  	[sflag:s19] =	ssyncset.done $0x0  }
0x87: {  	s26 =	sadd.s32 $0x1400, s25;
	[sflag:s19] =	ssyncadd.s32 $0xFFFFC000  }
0x88: {  	[spmem:s1] =	stream.indirect.scatter.add.f32 [tilespmem:s17], [sflag:$0x3], $0x80, s26, s16, $0xb8;
	[tilespmem:$0x1E800] =	vst v63  }
0x89: {  	_ =	swait.ge [sflag:s14], $0x4000  }
0x8a: {  	[sflag:s14] =	ssyncset.done $0x0  }
0x8b: {  	s26 =	sadd.s32 $0x100, s25;
	[sflag:s14] =	ssyncadd.s32 $0xFFFFC000  }
0x8c: {  	[tilespmem:s17], [sflag:$0x1] =	stream.indirect.gather [hbm4b:s4+s16], $0x80, s26, s16, $0xb8;
	[tilespmem:$0x1E800] =	vst v63  }
0x8d: {  	_ =	swait.ge [sflag:s20], $0x4000  }
.Ltmp1:
0x8e: {  	[sflag:s20] =	ssyncset.done $0x0;
	(pc) =	sbr.rel @p0 .LBB2_4-.Ltmp1, $4  }
0x8f: {  	s25 =	sadd.s32 $0x1480, s25;
	[sflag:s20] =	ssyncadd.s32 $0xFFFFC000  }
0x90: {  	[spmem:s1] =	stream.indirect.scatter.add.f32 [tilespmem:s18], [sflag:$0x3], $0x80, s25, s16, $0xb8;
	[tilespmem:$0x1E800] =	vst v63  }
0x91: {  	_ =	swait.ge [sflag:s14], $0x4000  }
0x92: {  	s26 =	smov.u32 s30;
	s25 =	sshra.s32 s29, $0x2;
	[sflag:s14] =	ssyncset.done $0x0  }
0x93: {  	s26 =	sadd.s32 $0x80, s25;
	[sflag:s14] =	ssyncadd.s32 $0xFFFFC000  }
0x94: {  	[tilespmem:s18], [sflag:$0x2] =	stream.indirect.gather [hbm4b:s4+s16], $0x80, s26, s16, $0xb8;
	[tilespmem:$0x1E800] =	vst v63  }
0x95: {  	_ =	swait.ge [sflag:s19], $0x4000  }
0x96: {  	[sflag:s19] =	ssyncset.done $0x0  }
0x97: {  	s29 =	sadd.s32 $0x1400, s25;
	[sflag:s19] =	ssyncadd.s32 $0xFFFFC000  }
0x98: {  	[spmem:s1] =	stream.indirect.scatter.add.f32 [tilespmem:s17], [sflag:$0x3], $0x80, s29, s16, $0xb8;
	[tilespmem:$0x1E800] =	vst v63  }
0x99: {  	_ =	swait.ge [sflag:s14], $0x4000  }
0x9a: {  	[sflag:s14] =	ssyncset.done $0x0  }
0x9b: {  	s30 =	sadd.s32 $0x100, s25;
	[sflag:s14] =	ssyncadd.s32 $0xFFFFC000  }
0x9c: {  	[tilespmem:s17], [sflag:$0x1] =	stream.indirect.gather [hbm4b:s4+s16], $0x80, s30, s16, $0xb8;
	[tilespmem:$0x1E800] =	vst v63  }
0x9d: {  	_ =	swait.ge [sflag:s20], $0x4000  }
0x9e: {  	[sflag:s20] =	ssyncset.done $0x0  }
0x9f: {  	s31 =	sadd.s32 $0x1480, s25;
	[sflag:s20] =	ssyncadd.s32 $0xFFFFC000  }
0xa0: {  	[spmem:s1] =	stream.indirect.scatter.add.f32 [tilespmem:s18], [sflag:$0x3], $0x80, s31, s16, $0xb8;
	[tilespmem:$0x1E800] =	vst v63  }
0xa1: {  	_ =	swait.ge [sflag:s14], $0x4000  }
0xa2: {  	[sflag:s14] =	ssyncset.done $0x0  }
0xa3: {  	[sflag:s14] =	ssyncadd.s32 $0xFFFFC000  }
0xa4: {  	[tilespmem:s18], [sflag:$0x2] =	stream.indirect.gather [hbm4b:s4+s16], $0x80, s21, s16, $0xb8;
	[tilespmem:$0x1E800] =	vst v63  }
0xa5: {  	_ =	swait.ge [sflag:s19], $0x4000  }
0xa6: {  	[sflag:s19] =	ssyncset.done $0x0  }
0xa7: {  	[sflag:s19] =	ssyncadd.s32 $0xFFFFC000  }
0xa8: {  	[spmem:s1] =	stream.indirect.scatter.add.f32 [tilespmem:s17], [sflag:$0x3], $0x80, s22, s16, $0xb8;
	[tilespmem:$0x1E800] =	vst v63  }
0xa9: {  	_ =	swait.ge [sflag:s14], $0x4000  }
0xaa: {  	[sflag:s14] =	ssyncset.done $0x0  }
0xab: {  	[sflag:s14] =	ssyncadd.s32 $0xFFFFC000  }
0xac: {  	[tilespmem:s17], [sflag:$0x1] =	stream.indirect.gather [hbm4b:s4+s16], $0x80, s21, s16, $0xb8;
	[tilespmem:$0x1E800] =	vst v63  }
0xad: {  	_ =	swait.ge [sflag:s20], $0x4000  }
0xae: {  	[sflag:s20] =	ssyncset.done $0x0  }
0xaf: {  	[sflag:s20] =	ssyncadd.s32 $0xFFFFC000  }
0xb0: {  	[spmem:s1] =	stream.indirect.scatter.add.f32 [tilespmem:s18], [sflag:$0x3], $0x80, s23, s16, $0xb8;
	[tilespmem:$0x1E800] =	vst v63  }
0xb1: {  	_ =	swait.ge [sflag:s14], $0x4000  }
0xb2: {  	[sflag:s14] =	ssyncset.done $0x0  }
0xb3: {  	[sflag:s14] =	ssyncadd.s32 $0xFFFFC000  }
0xb4: {  	_ =	swait.ge [sflag:s19], $0x4000  }
0xb5: {  	s24 =	sadd.s32 $0x1, s24;
	[sflag:s19] =	ssyncset.done $0x0  }
0xb6: {  	p0 =	sne.s32 s24, s12;
	[sflag:s19] =	ssyncadd.s32 $0xFFFFC000  }
.Ltmp2:
0xb7: {  	[bflag:$0x0] =	sbarrier.arrive $0xFFFF;
	(pc) =	sbr.rel @p0 .LBB2_1-.Ltmp2, $4  }
0xb8: {  	[hbm:s11], [sflag:s6] =	dma.local [spmem:s13], $0x2800  }
0xb9: {  	_ =	swait.ge [sflag:s14], $0x2800  }
0xba: {  	[sflag:s14] =	ssyncset.done $0x0  }
0xbb: {  	[sflag:s14] =	ssyncadd.s32 $0xFFFFD800  }
0xbc: {  	_ =	sfence.sel $0x180000  }
0xbd: {  	[bflag:$0x0] =	sbarrier.arrive $0xFFFF  }
0xbe: {  	p0 =	sne.s32 s2, $0x0;
	_ =	strace $0x9000004D  }
0xbf: {  	s0 =	sadd.s32 @!p0 $0x100000, s0;
	[bflag:$0x2] =	sbarrier.arrive $0xFFFF  }
0xc0: {  	[sflag:s0] =	ssyncadd.tile.s32 @!p0 $0x1;
	_ =	shalt  }
.Lfunc_end2:
_tile_overlayer_lowered:
.L_overlay_start_2:
0xc1: {  	(tag) =	ssettag $0x2  }
0xc2: {  	s0 =	rddreg [dreg:$0x0];
	s2 =	stileid.u32  }
0xc3: {  	s1 =	rddreg [dreg:$0x1];
	p0 =	sne.s32 s2, $0x0  }
0xc4: {  	s3 =	rddreg [dreg:$0x2];
	[bflag:$0x3] =	sbarrier.arrive $0xFFFF;
	s2 =	simm.s32 @!p0 $0x1C03  }
0xc5: {  	[timem:s3], [sflag:s2] =	dma.local @!p0 [hbm:s0], s1  }
0xc6: {  	s0 =	simm.s32 @!p0 $0x3  }
0xc7: {  	_ =	swait.ge @!p0 [sflag:s0], s1  }
0xc8: {  	s1 =	ssub.s32 @!p0 $0x0, s1;
	[sflag:s0] =	ssyncset.done @!p0 $0x0  }
0xc9: {  	[sflag:s0] =	ssyncadd.s32 @!p0 s1  }
0xca: {  	[bflag:$0x3] =	sbarrier.arrive $0xFFFF  }
0xcb: {  	_ =	shalt  }

// kernel: kernel.8.cloned.1.call-start
scs
__scs_entry_jumppad:
0x0: {  	(pc) =	sbr.rel $0x88, $3  }
0x1: {  	(tag) =	ssettag $0x0;
	lr =	simm.s32 $0x1  }
0x2: {  	[smem:$0x3F99] =	sst lr;
	_ =	strace $0xD0000000  }
0x3: {  	_ = 	snop  }
0x4: {  	_ = 	snop  }
0x5: {  	_ = 	snop  }
0x6: {  	_ = 	snop  }
0x7: {  	_ = 	snop  }
__scs_overlays_trampoline_lowered:
0x8: {  	[smem:$0x3FA8] =	sst s0  }
0x9: {  	[smem:$0x3FA9] =	sst s1  }
0xa: {  	[smem:$0x3FAA] =	sst s2  }
0xb: {  	[smem:$0x3FAB] =	sst s3  }
0xc: {  	[smem:$0x3FAC] =	sst s4  }
0xd: {  	[smem:$0x3FAD] =	sst s5  }
0xe: {  	[smem:$0x3FAE] =	sst s6  }
0xf: {  	[smem:$0x3FAF] =	sst s7  }
0x10: {  	[smem:$0x3FB0] =	sst s8  }
0x11: {  	[smem:$0x3FB1] =	sst s9;
	s0 =	simm.s32 @!p0 $0x0  }
0x12: {  	s1 =	sld [smem:$0x3F97];
	s0 =	simm.s32 @p0 $0x1  }
0x13: {  	[smem:$0x3FB2] =	sst s0;
	s0 =	simm.s32 @!p1 $0x0  }
0x14: {  	s2 =	sld [smem:$0x3F96];
	s0 =	simm.s32 @p1 $0x1  }
0x15: {  	[smem:$0x3FB3] =	sst s0;
	s0 =	simm.s32 @!p2 $0x0  }
0x16: {  	s3 =	sld [smem:$0x3FDB];
	s0 =	simm.s32 @p2 $0x1  }
0x17: {  	s4 =	simm.s32 $0x1BF5;
	[smem:$0x3FB5] =	sst s0  }
0x18: {  	s0 =	sld [smem:$0x3F98];
	_ =	swait.ge [sflag:s4], $0x0  }
0x19: {  	s7 =	sld [smem:$0x3F99]  }
0x1a: {  	s8 =	sadd.s32 $0xFFFFE003, lr  }
0x1b: {  	s9 =	sadd.s32 $0xFFFFFEF7, lr;
	s5 =	simm.s32 $0xFFFFFFFF;
	p2 =	slt.u32 s8, $0xFFFFF086  }
0x1c: {  	p1 =	slt.u32 s9, $0xF7A;
	s5 =	simm.s32 @!p2 $0x0  }
0x1d: {  	s5 =	simm.s32 @p1 $0x1;
	p0 =	seq.s32 s7, s2  }
0x1e: {  	s7 =	smul.u32 @!p0 $0xF7A, s2;
	p2 =	seq.s32 @!p0 s5, $0x0  }
0x1f: {  	s9 =	smul.u32 $0xF7A, s1;
	s8 =	simm.s32 @!p0 $0x1BF5;
	p2 =	por !p2, p0  }
0x20: {  	[sflag:s8] =	ssyncset.s32 @!p0 $0xFFFFF086;
	s6 =	sadd.s32 @!p0 s3, s7;
	s7 =	simm.s32 @!p0 $0x108  }
0x21: {  	s3 =	sadd.s32 s3, s9;
	s6 =	sadd.s32 @!p0 $0x88, s6;
	s7 =	simm.s32 @p2 $0x1082  }
0x22: {  	[simem:s7], [sflag:s8] =	dma.local @!p0 [hbm:s6], $0xF7A  }
0x23: {  	s9 =	sor.u32 $0xD0000000, s2;
	s6 =	simm.s32 $0x108;
	_ =	swait.ge @!p0 [sflag:s8], $0x0  }
0x24: {  	s3 =	sadd.s32 $0x88, s3;
	s6 =	simm.s32 @!p1 $0x1082;
	[sflag:s4] =	ssyncset.s32 $0xFFFFF086  }
0x25: {  	[simem:s6], [sflag:s4] =	dma.local [hbm:s3], $0xF7A  }
0x26: {  	[smem:$0x3F99] =	sst s1;
	(tag) =	ssettag s2;
	_ =	strace s9  }
0x27: {  	s1 =	sld [smem:$0x3FA9]  }
0x28: {  	s2 =	sld [smem:$0x3FAA]  }
0x29: {  	s4 =	sld [smem:$0x3FAC]  }
0x2a: {  	p0 =	seq.s32 s5, $0x0;
	s5 =	sld [smem:$0x3FAD]  }
0x2b: {  	s6 =	sld [smem:$0x3FAE]  }
0x2c: {  	s7 =	sld [smem:$0x3FAF]  }
0x2d: {  	s3 =	simm.s32 $0x108;
	s8 =	sld [smem:$0x3FB0]  }
0x2e: {  	s3 =	simm.s32 @!p0 $0x1082;
	s9 =	sld [smem:$0x3FB1]  }
0x2f: {  	lr =	sadd.s32 s0, s3;
	s0 =	sld [smem:$0x3FA8]  }
0x30: {  	s3 =	sld [smem:$0x3FAB]  }
0x31: {  	[smem:$0x3FB4] =	sst s10  }
0x32: {  	s10 =	sld [smem:$0x3FB2];
	_ =	sdelay $0x3  }
0x33: {  	p0 =	seq.s32 s10, $0x1;
	s10 =	sld [smem:$0x3FB4];
	_ =	sdelay $0x3  }
0x34: {  	[smem:$0x3FB4] =	sst s10  }
0x35: {  	s10 =	sld [smem:$0x3FB3];
	_ =	sdelay $0x3  }
0x36: {  	p1 =	seq.s32 s10, $0x1;
	s10 =	sld [smem:$0x3FB4];
	_ =	sdelay $0x3  }
0x37: {  	[smem:$0x3FB4] =	sst s10  }
0x38: {  	s10 =	sld [smem:$0x3FB5]  }
0x39: {  	_ = 	snop;
	(pc) =	sbr.ind lr, $3  }
0x3a: {  	_ = 	snop  }
0x3b: {  	_ = 	snop  }
0x3c: {  	p2 =	seq.s32 s10, $0x1;
	s10 =	sld [smem:$0x3FB4]  }
0x3d: {  	_ =	shalt  }
0x3e: {  	_ =	shalt  }
0x3f: {  	_ =	shalt  }
0x40: {  	_ =	shalt  }
0x41: {  	_ =	shalt  }
0x42: {  	_ =	shalt  }
0x43: {  	_ =	shalt  }
0x44: {  	_ =	shalt  }
0x45: {  	_ =	shalt  }
0x46: {  	_ =	shalt  }
0x47: {  	_ =	shalt  }
0x48: {  	_ =	shalt  }
0x49: {  	_ =	shalt  }
0x4a: {  	_ =	shalt  }
0x4b: {  	_ =	shalt  }
0x4c: {  	_ =	shalt  }
0x4d: {  	_ =	shalt  }
0x4e: {  	_ =	shalt  }
0x4f: {  	_ =	shalt  }
0x50: {  	_ =	shalt  }
0x51: {  	_ =	shalt  }
0x52: {  	_ =	shalt  }
0x53: {  	_ =	shalt  }
0x54: {  	_ =	shalt  }
0x55: {  	_ =	shalt  }
0x56: {  	_ =	shalt  }
0x57: {  	_ =	shalt  }
0x58: {  	_ =	shalt  }
0x59: {  	_ =	shalt  }
0x5a: {  	_ =	shalt  }
0x5b: {  	_ =	shalt  }
0x5c: {  	_ =	shalt  }
0x5d: {  	_ =	shalt  }
0x5e: {  	_ =	shalt  }
0x5f: {  	_ =	shalt  }
0x60: {  	_ =	shalt  }
0x61: {  	_ =	shalt  }
0x62: {  	_ =	shalt  }
0x63: {  	_ =	shalt  }
0x64: {  	_ =	shalt  }
0x65: {  	_ =	shalt  }
0x66: {  	_ =	shalt  }
0x67: {  	_ =	shalt  }
0x68: {  	_ =	shalt  }
0x69: {  	_ =	shalt  }
0x6a: {  	_ =	shalt  }
0x6b: {  	_ =	shalt  }
0x6c: {  	_ =	shalt  }
0x6d: {  	_ =	shalt  }
0x6e: {  	_ =	shalt  }
0x6f: {  	_ =	shalt  }
0x70: {  	_ =	shalt  }
0x71: {  	_ =	shalt  }
0x72: {  	_ =	shalt  }
0x73: {  	_ =	shalt  }
0x74: {  	_ =	shalt  }
0x75: {  	_ =	shalt  }
0x76: {  	_ =	shalt  }
0x77: {  	_ =	shalt  }
0x78: {  	_ =	shalt  }
0x79: {  	_ =	shalt  }
0x7a: {  	_ =	shalt  }
0x7b: {  	_ =	shalt  }
0x7c: {  	_ =	shalt  }
0x7d: {  	_ =	shalt  }
0x7e: {  	_ =	shalt  }
0x7f: {  	_ =	shalt  }
0x80: {  	_ =	shalt  }
0x81: {  	_ =	shalt  }
0x82: {  	_ =	shalt  }
0x83: {  	_ =	shalt  }
0x84: {  	_ =	shalt  }
0x85: {  	_ =	shalt  }
0x86: {  	_ =	shalt  }
0x87: {  	_ =	shalt  }
.Lfunc_end0:
.L_simem_size_0:
called_computation_lowered:
.L_overlay_start_0:
0x88: {  	s2 =	sld [smem:$0x3FD9]  }
0x89: {  	s3 =	sld [smem:$0x3FFE];
	_ =	sdelay $0x1  }
0x8a: {  	s1 =	srdreg.scid  }
0x8b: {  	s0 =	sand.u32 $0x1, s1  }
0x8c: {  	s14 =	sshll.u32 s0, $0xA;
	s2 =	sadd.s32 s3, s2  }
0x8d: {  	s2 =	sadd.s32 s2, s14  }
0x8e: {  	[smem:$0x3FC0] =	sst s2  }
0x8f: {  	_ = 	snop  }
0x90: {  	s2 =	sld [smem:$0x3FD0];
	_ =	sdelay $0x2  }
0x91: {  	s15 =	simm.s32 $0xA;
	s4 =	simm.s32 $0x10  }
0x92: {  	[smem:s4], [sflag:s15] =	dma.local [hbm:s2], $0x1  }
0x93: {  	_ =	swait.eq [sflag:s15], $0x1  }
0x94: {  	[sflag:s15] =	ssyncset.done $0x0  }
0x95: {  	[sflag:s15] =	ssyncadd.s32 $0xFFFFFFFF  }
0x96: {  	s16 =	sld [smem:$0x10];
	(tm) =	ssettm $0x1  }
0x97: {  	s17 =	sld [smem:$0x3FFB];
	_ =	sdelay $0x3  }
0x98: {  	_ =	strace s17  }
0x99: {  	s3 =	sld [smem:$0x3FFC];
	_ =	sdelay $0x3  }
0x9a: {  	_ =	strace s3  }
0x9b: {  	s3 =	sld [smem:$0x3FFD];
	_ =	sdelay $0x3  }
0x9c: {  	_ =	strace s3  }
0x9d: {  	_ =	strace $0x8FFFFFFF  }
0x9e: {  	s18 =	sld [smem:$0x3FDB];
	_ =	sdelay $0x1  }
0x9f: {  	s19 =	simm.s32 $_scs_section_size  }
0xa0: {  	s5 =	simm.s32 $_size__tile_overlayer_lowered;
	s6 =	simm.s32 $_tile_overlayer_lowered  }
0xa1: {  	s22 =	simm.s32 $0x1BFF;
	s21 =	sshll.u32 s6, $0x1;
	s3 =	sadd.s32 s19, s18  }
0xa2: {  	s7 =	simm.s32 $0x0;
	s20 =	sshll.u32 s5, $0x1;
	s5 =	sadd.s32 s21, s3  }
0xa3: {  	[timem:s7], [sflag:s22] =	dma.local [hbm:s5], s20  }
0xa4: {  	_ =	swait.ge [sflag:s22], s20  }
0xa5: {  	s4 =	ssub.s32 $0x0, s20;
	[sflag:s22] =	ssyncset.done $0x0  }
0xa6: {  	[sflag:s22] =	ssyncadd.s32 s4;
	_ =	sdelay $0x1  }
0xa7: {  	s23 =	simm.s32 $0x1B8B  }
0xa8: {  	_ =	swait.ge [sflag:s23], $0x1  }
0xa9: {  	[sflag:s23] =	ssyncset.done $0x0  }
0xaa: {  	s25 =	simm.s32 $0x1B8E;
	s24 =	sld [smem:$0x3FFE];
	[sflag:s23] =	ssyncadd.s32 $0xFFFFFFFF  }
0xab: {  	s26 =	simm.s32 $execute0_lowered;
	[smem:$0x3FD2] =	sst s25  }
0xac: {  	s5 =	sshll.u32 s26, $0x1;
	_ =	strace $0x80000046;
	[dreg:$0x1] =	wrdreg $0xFFFFFFFF  }
0xad: {  	s28 =	simm.s32 $_size_execute0_lowered;
	s3 =	sadd.s32 s3, s5;
	[dreg:$0x0] =	wrdreg $0x0  }
0xae: {  	s5 =	sshll.u32 s28, $0x1;
	[dreg:$0x2] =	wrdreg s3  }
0xaf: {  	[dreg:$0x3] =	wrdreg s5  }
0xb0: {  	[dreg:$0x4] =	wrdreg $0xC0  }
0xb1: {  	_ =	task [dreg:s7], $0x5FFFF  }
0xb2: {  	[dreg:$0x1] =	wrdreg $0xFFFFFFFF  }
0xb3: {  	[dreg:$0x0] =	wrdreg $0x60  }
0xb4: {  	[dreg:$0x2] =	wrdreg s16  }
0xb5: {  	[dreg:$0x3] =	wrdreg s24  }
0xb6: {  	[dreg:$0x4] =	wrdreg $0x54000  }
0xb7: {  	[dreg:$0x5] =	wrdreg $0x9  }
0xb8: {  	_ =	task.clear_ibuf [dreg:s7], $0x6FFFF;
	_ =	strace $0x90000046  }
0xb9: {  	s29 =	simm.s32 $0x9;
	_ =	strace $0x80000048  }
0xba: {  	_ =	swait.ge [sflag:s29], $0x1  }
0xbb: {  	[sflag:s29] =	ssyncadd.s32 $0xFFFFFFFF  }
0xbc: {  	_ =	strace $0x90000048  }
0xbd: {  	_ =	sfence  }
0xbe: {  	s30 =	sld [smem:$0x0];
	_ =	sdelay $0x2  }
0xbf: {  	s31 =	sshll.u32 s1, $0xD;
	s1 =	sshrl.u32 s1, $0x2  }
0xc0: {  	s3 =	sand.u32 $0x4000, s31;
	s1 =	sadd.s32 s1, s30  }
0xc1: {  	s0 =	sor.u32 s3, s0;
	s1 =	sshll.u32 s1, $0x11  }
0xc2: {  	s0 =	sor.u32 s1, s0  }
0xc3: {  	s0 =	sadd.s32 $0x8F2B, s0  }
0xc4: {  	[sflag:s0] =	ssyncadd.remote.s32 $0x1  }
0xc5: {  	_ =	sfence.sel $0xFFFF  }
0xc6: {  	[dreg:$0x0] =	wrdreg $0xFFFFFFFF;
	(pc) =	sbr.abs _section_cstart, $3  }
0xc7: {  	[dreg:$0x1] =	wrdreg $0xFFFFFFFF  }
0xc8: {  	_ =	task.clear_ibuf [dreg:s7], $0x2FFFF;
	_ =	strace $0x9FFFFFFF  }
0xc9: {  	(tm) =	ssettm $0x7FFFFFFF  }
tec
execute0_lowered:
.L_overlay_start_1:
0x0: {  	(tag) =	ssettag $0x1  }
0x1: {  	s6 =	rddreg [dreg:$0x0]  }
0x2: {  	s5 =	rddreg [dreg:$0x1]  }
0x3: {  	s2 =	rddreg [dreg:$0x2]  }
0x4: {  	s0 =	rddreg [dreg:$0x3];
	s1 =	stileid.u32  }
0x5: {  	s4 =	srdreg.scid;
	s3 =	simm.s32 $0x0;
	s13 =	simm.s32 $0x80  }
0x6: {  	s14 =	simm.s32 $0x0;
	s7 =	smul.u32 $0x14000, s1;
	s8 =	sand.u32 $0x1, s4  }
0x7: {  	[smem:$0x7FF] =	sst s3;
	s4 =	sadd.s32 $0x2B000, s5;
	s11 =	smul.u32 $0x50000, s1  }
0x8: {  	s31 =	sshll.u32 s1, $0x6;
	s9 =	smul.u32 $0x140000, s8;
	_ =	strace $0x80000047  }
0x9: {  	s28 =	sshll.u32 s8, $0x4;
	s8 =	ssub.s32 $0x2, s8;
	s10 =	sshrl.u32 s7, $0x3  }
0xa: {  	s12 =	sshrl.u32 s8, $0x1;
	s29 =	sshrl.u32 s11, $0x2;
	s11 =	sor.u32 $0x1C01, s31  }
0xb: {  	s10 =	sadd.s32 s10, s5;
	s7 =	sadd.s32 s7, s9;
	s9 =	sor.u32 s1, s28  }
0xc: {  	s8 =	ssub.s32 s8, s12;
	s30 =	sadd.s32 s29, s2;
	s7 =	sshrl.u32 s7, $0x3  }
0xd: {  	s9 =	smul.u32 $0x280, s9;
	s8 =	smax.u32 s8, $0x1;
	s12 =	sshrl.u32 s30, $0x3  }
0xe: {  	s7 =	sadd.s32 s7, s5;
	s5 =	sadd.s32 $0x3000, s10;
	s10 =	simm.s32 $0x1  }
0xf: {  	s6 =	sadd.s32 s6, s9;
	s7 =	sadd.s32 $0x2B800, s7;
	s9 =	simm.s32 $0x1400  }
.LBB2_1:
0x10: {  	[tilespmem:s9], [sflag:$0x1] =	stream.linear.gather [hbm4b:s4+s3], $0x4000, $0x38;
	[tilespmem:$0x19400] =	vst v63  }
0x11: {  	_ =	swait.ge [sflag:s10], $0x4000  }
0x12: {  	[sflag:s10] =	ssyncset.done $0x0  }
0x13: {  	[sflag:s10] =	ssyncadd.s32 $0xFFFFC000  }
0x14: {  	[spmem:s12], [sflag:s11] =	dma.local [hbm:s5], $0x2800  }
0x15: {  	_ =	swait.ge [sflag:s10], $0x2800  }
0x16: {  	[sflag:s10] =	ssyncset.done $0x0  }
0x17: {  	[sflag:s10] =	ssyncadd.s32 $0xFFFFD800  }
0x18: {  	[tilespmem:s3], [sflag:$0x1] =	stream.linear.gather [hbm4b:s6+s3], $0x1400, $0x38;
	[tilespmem:$0x19400] =	vst v63  }
0x19: {  	_ =	swait.ge [sflag:s10], $0x1400  }
0x1a: {  	[sflag:s10] =	ssyncset.done $0x0  }
0x1b: {  	[sflag:s10] =	ssyncadd.s32 $0xFFFFEC00  }
0x1c: {  	s15 =	simm.s32 $0x0;
	[bflag:$0x0] =	sbarrier.arrive $0xFFFF  }
0x1d: {  	[spmem:s2] =	stream.indirect.scatter.add.f32 [tilespmem:s9], [sflag:$0x1], $0x80, s15, s13, $0xb8;
	[tilespmem:$0x19400] =	vst v63  }
0x1e: {  	_ =	swait.ge [sflag:s10], $0x4000  }
0x1f: {  	s15 =	simm.s32 $0x200;
	[sflag:s10] =	ssyncset.done $0x0  }
.LBB2_2:
0x20: {  	s16 =	sshra.s32 s15, $0x2;
	[sflag:s10] =	ssyncadd.s32 $0xFFFFC000;
	p0 =	sne.s32 s15, $0x4E00  }
0x21: {  	[spmem:s2] =	stream.indirect.scatter.add.f32 [tilespmem:s9], [sflag:$0x1], $0x80, s16, s13, $0xb8;
	[tilespmem:$0x19400] =	vst v63  }
.Ltmp0:
0x22: {  	_ = 	snop;
	(pc) =	sbr.rel @p0 .LBB2_2-.Ltmp0, $4  }
0x23: {  	_ = 	snop  }
0x24: {  	s15 =	sadd.s32 $0x200, s15  }
0x25: {  	_ =	swait.ge [sflag:s10], $0x4000  }
0x26: {  	[sflag:s10] =	ssyncset.done $0x0  }
0x27: {  	s14 =	sadd.s32 $0x1, s14  }
0x28: {  	[sflag:s10] =	ssyncadd.s32 $0xFFFFC000;
	p0 =	sne.s32 s14, s8  }
.Ltmp1:
0x29: {  	[bflag:$0x0] =	sbarrier.arrive $0xFFFF;
	(pc) =	sbr.rel @p0 .LBB2_1-.Ltmp1, $4  }
0x2a: {  	[hbm:s7], [sflag:s11] =	dma.local [spmem:s12], $0x2800  }
0x2b: {  	_ =	swait.ge [sflag:s10], $0x2800  }
0x2c: {  	[sflag:s10] =	ssyncset.done $0x0  }
0x2d: {  	[sflag:s10] =	ssyncadd.s32 $0xFFFFD800  }
0x2e: {  	_ =	sfence.sel $0x180000  }
0x2f: {  	[bflag:$0x0] =	sbarrier.arrive $0xFFFF  }
0x30: {  	p0 =	sne.s32 s1, $0x0;
	_ =	strace $0x90000047  }
0x31: {  	s0 =	sadd.s32 @!p0 $0x100000, s0;
	[bflag:$0x2] =	sbarrier.arrive $0xFFFF  }
0x32: {  	[sflag:s0] =	ssyncadd.tile.s32 @!p0 $0x1;
	_ =	shalt  }
.Lfunc_end2:
_tile_overlayer_lowered:
.L_overlay_start_2:
0x33: {  	(tag) =	ssettag $0x2  }
0x34: {  	s0 =	rddreg [dreg:$0x0];
	s2 =	stileid.u32  }
0x35: {  	s1 =	rddreg [dreg:$0x1];
	p0 =	sne.s32 s2, $0x0  }
0x36: {  	s3 =	rddreg [dreg:$0x2];
	[bflag:$0x3] =	sbarrier.arrive $0xFFFF;
	s2 =	simm.s32 @!p0 $0x1C01  }
0x37: {  	[timem:s3], [sflag:s2] =	dma.local @!p0 [hbm:s0], s1  }
0x38: {  	s0 =	simm.s32 @!p0 $0x1  }
0x39: {  	_ =	swait.ge @!p0 [sflag:s0], s1  }
0x3a: {  	s1 =	ssub.s32 @!p0 $0x0, s1;
	[sflag:s0] =	ssyncset.done @!p0 $0x0  }
0x3b: {  	[sflag:s0] =	ssyncadd.s32 @!p0 s1  }
0x3c: {  	[bflag:$0x3] =	sbarrier.arrive $0xFFFF  }
0x3d: {  	_ =	shalt  }

</sc_bundles>
